<compile_context>
chip_gen: v7x
topology: tpu7x:2x2x1
jax: 0.10.2.dev20260603
libtpu: 0.0.44.dev20260713+nightly
codegen_flags: <defaults>
</compile_context>

<pallas_src>
import jax
import jax.numpy as jnp
from jax import lax
from jax.experimental import pallas as pl
from jax.experimental.pallas import tpu as pltpu
from jax.experimental.pallas import tpu_sc as plsc

N = 10000
D = 128
E = 320000

NC, NS = 2, 16
NW = NC * NS
CHUNK = 128
N_CHUNKS = -(-E // (NW * CHUNK))
E_PAD = NW * CHUNK * N_CHUNKS
PE = E_PAD // NW
N_PAD = 10112
RPT = N_PAD // NS

_DN = (((1,), (1,)), ((), ()))


def _make_deg_count():
    mesh = plsc.VectorSubcoreMesh(core_axis_name="c", subcore_axis_name="s",
                                  num_cores=NC, num_subcores=NS)

    def body(dst_hbm, dego_hbm, dst_v, deg_v):
        c = lax.axis_index("c")
        s = lax.axis_index("s")
        w = c * NS + s
        pltpu.sync_copy(dst_hbm.at[pl.ds(w * PE, PE)], dst_v)

        def zero_deg(i, carry):
            deg_v[pl.ds(i * 16, 16)] = jnp.zeros((16,), jnp.float32)
            return carry

        lax.fori_loop(0, N_PAD // 16, zero_deg, 0)

        def count(i, carry):
            idx16 = dst_v[pl.ds(i * 16, 16)]
            cnt, last = plsc.scan_count(idx16)
            plsc.addupdate_scatter(deg_v, [idx16],
                                   cnt.astype(jnp.float32), mask=last)
            return carry

        lax.fori_loop(0, PE // 16, count, 0)
        pltpu.sync_copy(deg_v, dego_hbm.at[pl.ds(w * N_PAD, N_PAD)])

    return pl.kernel(
        body,
        out_type=(jax.ShapeDtypeStruct((NW * N_PAD,), jnp.float32),),
        mesh=mesh,
        compiler_params=pltpu.CompilerParams(needs_layout_passes=False),
        scratch_types=(
            pltpu.VMEM((PE,), jnp.int32),
            pltpu.VMEM((N_PAD,), jnp.float32),
        ),
    )


def _make_seg_sum():
    mesh = plsc.VectorSubcoreMesh(core_axis_name="c", subcore_axis_name="s",
                                  num_cores=NC, num_subcores=NS)

    def body(*args):
        (xt_hbm, src_hbm, dst_hbm, out_hbm,
         src_v, dst_v, rows0, acc_sh, sem0) = args
        c = lax.axis_index("c")
        s = lax.axis_index("s")
        w = c * NS + s
        rbase = s * RPT
        n_full = RPT // CHUNK
        tail = RPT - n_full * CHUNK

        def zero_rows(i, carry):
            for j in range(D // 16):
                rows0[i, pl.ds(j * 16, 16)] = jnp.zeros((16,), jnp.float32)
            return carry

        lax.fori_loop(0, CHUNK, zero_rows, 0)

        def zcopy(i, carry):
            pltpu.sync_copy(rows0, acc_sh.at[pl.ds(rbase + i * CHUNK, CHUNK)])
            return carry

        lax.fori_loop(0, n_full, zcopy, 0)
        pltpu.sync_copy(rows0.at[pl.ds(0, tail)],
                        acc_sh.at[pl.ds(rbase + n_full * CHUNK, tail)])
        plsc.subcore_barrier()

        ebase = w * PE

        def step(i, carry):
            b = ebase + i * CHUNK
            pltpu.sync_copy(src_hbm.at[pl.ds(b, CHUNK)], src_v)
            pltpu.sync_copy(dst_hbm.at[pl.ds(b, CHUNK)], dst_v)
            pltpu.async_copy(xt_hbm.at[src_v], rows0, sem0).wait()
            pltpu.sync_copy(rows0, acc_sh.at[dst_v], add=True)
            return carry

        lax.fori_loop(0, N_CHUNKS, step, 0)
        plsc.subcore_barrier()

        def wb(i, carry):
            r = rbase + i * CHUNK
            pltpu.sync_copy(acc_sh.at[pl.ds(r, CHUNK)], rows0)
            pltpu.sync_copy(rows0, out_hbm.at[c, pl.ds(r, CHUNK)])
            return carry

        lax.fori_loop(0, n_full, wb, 0)
        rt = rbase + n_full * CHUNK
        pltpu.sync_copy(acc_sh.at[pl.ds(rt, tail)], rows0.at[pl.ds(0, tail)])
        pltpu.sync_copy(rows0.at[pl.ds(0, tail)], out_hbm.at[c, pl.ds(rt, tail)])

    return pl.kernel(
        body,
        out_type=(jax.ShapeDtypeStruct((NC, N_PAD, D), jnp.float32),),
        mesh=mesh,
        scratch_types=(
            pltpu.VMEM((CHUNK,), jnp.int32),
            pltpu.VMEM((CHUNK,), jnp.int32),
            pltpu.VMEM((CHUNK, D), jnp.float32),
            pltpu.VMEM_SHARED((N_PAD, D), jnp.float32),
            pltpu.SemaphoreType.DMA,
        ),
    )


_deg_count = _make_deg_count()
_seg_sum = _make_seg_sum()


RB = 1000


def _dual_mm_body(x_ref, wl_ref, wr_ref, a_ref, b_ref):
    xb = x_ref[...]
    a_ref[...] = lax.dot_general(xb, wl_ref[...], _DN,
                                 preferred_element_type=jnp.float32)
    b_ref[...] = lax.dot_general(xb, wr_ref[...], _DN,
                                 preferred_element_type=jnp.float32)


def _dual_matmul(xx, Wl, Wr):
    n = xx.shape[0]
    return pl.pallas_call(
        _dual_mm_body,
        grid=(n // RB,),
        in_specs=[pl.BlockSpec((RB, D), lambda i: (i, 0)),
                  pl.BlockSpec((D, D), lambda i: (0, 0)),
                  pl.BlockSpec((D, D), lambda i: (0, 0))],
        out_specs=[pl.BlockSpec((RB, D), lambda i: (i, 0)),
                   pl.BlockSpec((RB, D), lambda i: (i, 0))],
        out_shape=[jax.ShapeDtypeStruct((n, D), jnp.float32)] * 2,
    )(xx, Wl, Wr)


def _mid_body(p_ref, dt_ref, xr_ref, b1_ref, wl_ref, wr_ref,
              ht_ref, hr_ref, dg_ref):
    pp = p_ref[...]
    ssum = pp[0] + pp[1]
    deg = jnp.sum(dt_ref[...], axis=1, keepdims=True)
    degc = jnp.maximum(deg, 1.0)
    aggr = ssum / degc
    h = jnp.maximum(aggr + b1_ref[...] + xr_ref[...], 0.0)
    ht_ref[...] = lax.dot_general(h, wl_ref[...], _DN,
                                  preferred_element_type=jnp.float32)
    hr_ref[...] = lax.dot_general(h, wr_ref[...], _DN,
                                  preferred_element_type=jnp.float32)
    dg_ref[...] = jnp.broadcast_to(degc, (RB, 8))


def _mid(p, dt, xr, b1r, W2l, W2r):
    return pl.pallas_call(
        _mid_body,
        grid=(N // RB,),
        in_specs=[pl.BlockSpec((NC, RB, D), lambda i: (0, i, 0)),
                  pl.BlockSpec((RB, NW), lambda i: (i, 0)),
                  pl.BlockSpec((RB, D), lambda i: (i, 0)),
                  pl.BlockSpec((1, D), lambda i: (0, 0)),
                  pl.BlockSpec((D, D), lambda i: (0, 0)),
                  pl.BlockSpec((D, D), lambda i: (0, 0))],
        out_specs=[pl.BlockSpec((RB, D), lambda i: (i, 0)),
                   pl.BlockSpec((RB, D), lambda i: (i, 0)),
                   pl.BlockSpec((RB, 8), lambda i: (i, 0))],
        out_shape=[jax.ShapeDtypeStruct((N, D), jnp.float32),
                   jax.ShapeDtypeStruct((N, D), jnp.float32),
                   jax.ShapeDtypeStruct((N, 8), jnp.float32)],
    )(p, dt, xr, b1r, W2l, W2r)


def _fin_body(p_ref, dg_ref, hr_ref, b2_ref, o_ref):
    pp = p_ref[...]
    ssum = pp[0] + pp[1]
    degc = dg_ref[:, 0:1]
    o_ref[...] = ssum / degc + b2_ref[...] + hr_ref[...]


def _fin(p, dg, hr, b2r):
    return pl.pallas_call(
        _fin_body,
        grid=(N // RB,),
        in_specs=[pl.BlockSpec((NC, RB, D), lambda i: (0, i, 0)),
                  pl.BlockSpec((RB, 8), lambda i: (i, 0)),
                  pl.BlockSpec((RB, D), lambda i: (i, 0)),
                  pl.BlockSpec((1, D), lambda i: (0, 0))],
        out_specs=pl.BlockSpec((RB, D), lambda i: (i, 0)),
        out_shape=jax.ShapeDtypeStruct((N, D), jnp.float32),
    )(p, dg, hr, b2r)


def kernel(x, edge_index, W1l, b1, W1r, W2l, b2, W2r):
    src = edge_index[0].astype(jnp.int32)
    dst = edge_index[1].astype(jnp.int32)
    src = jnp.concatenate([src, jnp.zeros((E_PAD - E,), jnp.int32)])
    dst = jnp.concatenate([dst, jnp.full((E_PAD - E,), N, jnp.int32)])
    b1r = b1.reshape(1, D)
    b2r = b2.reshape(1, D)

    xt, xr = _dual_matmul(x, W1l, W1r)
    (p1,) = _seg_sum(xt, src, dst)
    (deg_raw,) = _deg_count(dst)
    dt = deg_raw.reshape(NW, N_PAD).T
    ht, hr, dg = _mid(p1, dt, xr, b1r, W2l, W2r)
    (p2,) = _seg_sum(ht, src, dst)
    return _fin(p2, dg, hr, b2r)

# --- scband reference (transcript-rebuilt; emitter-appended) ---
"""Pipeline reference for scband-link-prediction-graph-sage-50190987821456 (READ-ONLY COPY).

The authoritative reference and input builder live on the scoring server;
editing this copy changes nothing except your own understanding.
"""

import jax, jax.numpy as jnp
import numpy as np

N_NODES = 10000
N_EDGES = 320000
D_IN = 128
D_HID = 128
D_OUT = 128


def setup_inputs(seed: int = 0) -> dict:
    key = jax.random.key(seed)
    ks = jax.random.split(key, 8)
    x = jax.random.normal(ks[0], (N_NODES, D_IN), dtype=jnp.float32)
    edge_index = jax.random.randint(ks[1], (2, N_EDGES), 0, N_NODES, dtype=jnp.int64)
    # SAGEConv params (PyG-style): out = lin_l(mean_aggr) + lin_r(x); lin_l has bias
    s1 = 1.0 / np.sqrt(D_IN)
    W1l = jax.random.uniform(ks[2], (D_HID, D_IN), jnp.float32, -s1, s1)
    b1 = jnp.zeros((D_HID,), jnp.float32)
    W1r = jax.random.uniform(ks[3], (D_HID, D_IN), jnp.float32, -s1, s1)
    s2 = 1.0 / np.sqrt(D_HID)
    W2l = jax.random.uniform(ks[4], (D_OUT, D_HID), jnp.float32, -s2, s2)
    b2 = jnp.zeros((D_OUT,), jnp.float32)
    W2r = jax.random.uniform(ks[5], (D_OUT, D_HID), jnp.float32, -s2, s2)
    return {"x": x, "edge_index": edge_index, "W1l": W1l, "b1": b1, "W1r": W1r,
            "W2l": W2l, "b2": b2, "W2r": W2r}


def _sage_conv(x, edge_index, Wl, bl, Wr):
    src = edge_index[0]
    dst = edge_index[1]
    n = x.shape[0]
    msg = jnp.take(x, src, axis=0)                       # gather neighbor feats [E, d]
    summed = jax.ops.segment_sum(msg, dst, num_segments=n)
    deg = jax.ops.segment_sum(jnp.ones((msg.shape[0],), x.dtype), dst, num_segments=n)
    aggr = summed / jnp.clip(deg, 1.0, None)[:, None]    # mean aggregation
    return aggr @ Wl.T + bl + x @ Wr.T


def reference(x, edge_index, W1l, b1, W1r, W2l, b2, W2r):
    h = _sage_conv(x, edge_index, W1l, b1, W1r)
    h = jax.nn.relu(h)
    # dropout(p=0.05) is identity in eval mode
    out = _sage_conv(h, edge_index, W2l, b2, W2r)
    return out

if __name__ == "__main__":
    import jax
    _d = setup_inputs()
    print(jax.jit(kernel)(*tuple(_d.values())))

</pallas_src>

<mosaic_0001>
#map = affine_map<(d0, d1) -> (0, 0)>
#map1 = affine_map<(d0, d1) -> (0)>
#map2 = affine_map<(d0, d1) -> (0, 0, 0)>
module attributes {stable_mosaic.version = 14 : i64} {
  func.func @body(%arg0: i32, %arg1: i32, %arg2: memref<10000x128xf32, #tpu.memory_space<hbm>>, %arg3: memref<323584xi32, #tpu.memory_space<hbm>>, %arg4: memref<323584xi32, #tpu.memory_space<hbm>>, %arg5: memref<2x10112x128xf32, #tpu.memory_space<hbm>>, %arg6: memref<128xi32, #tpu.memory_space<vmem>>, %arg7: memref<128xi32, #tpu.memory_space<vmem>>, %arg8: memref<128x128xf32, #tpu.memory_space<vmem>>, %arg9: memref<10112x128xf32, #tpu.memory_space<vmem_shared>>, %arg10: memref<!tpu.dma_semaphore, #tpu.memory_space<semaphore_mem>>) attributes {dimension_semantics = [#tpu.dimension_semantics<core_parallel>, #tpu.dimension_semantics<subcore_parallel>], iteration_bounds = array<i64: 2, 16>, scalar_prefetch = 0 : i64, scratch_operands = 5 : i64, tpu.core_type = #tpu.core_type<sc_vector_subcore>, window_params = [{transform_indices = #map}, {transform_indices = #map1}, {transform_indices = #map1}, {transform_indices = #map2}]} {
    %mul3A = arith.constant 16 : i32
    %mul3A_0 = arith.muli %arg0, %mul3A : i32
    %add3A = arith.addi %mul3A_0, %arg1 : i32
    %mul3A_1 = arith.constant 632 : i32
    %mul3A_2 = arith.muli %arg1, %mul3A_1 : i32
    %scan3A = arith.constant 0 : i32
    %scan3A_3 = arith.constant 0 : i32
    %scan3A_4 = arith.constant 128 : i32
    %scan3A_5 = arith.addi %scan3A_3, %scan3A_4 : i32
    %scan3A_6 = arith.constant 1 : i32
    scf.for %scan3A_33 = %scan3A_3 to %scan3A_5 step %scan3A_6  : i32 {
      %broadcast_in_dim3A = arith.constant 0.000000e+00 : f32
      %broadcast_in_dim3A_34 = vector.broadcast %broadcast_in_dim3A : f32 to vector<16xf32>
      %swap3A = arith.index_cast %scan3A_33 : i32 to index
      %swap3A_35 = arith.constant 0 : index
      %swap3A_36 = tpu.vector_load %arg8[%swap3A, %swap3A_35] {strides = array<i32>} : memref<128x128xf32, #tpu.memory_space<vmem>>, vector<1x16xf32>,
      %swap3A_37 = vector.shape_cast %swap3A_36 : vector<1x16xf32> to vector<16xf32>
      %swap3A_38 = vector.shape_cast %broadcast_in_dim3A_34 : vector<16xf32> to vector<1x16xf32>
      tpu.vector_store %arg8[%swap3A, %swap3A_35], %swap3A_38 {strides = array<i32>} : memref<128x128xf32, #tpu.memory_space<vmem>>, vector<1x16xf32>,
      %broadcast_in_dim3A_39 = arith.constant 0.000000e+00 : f32
      %broadcast_in_dim3A_40 = vector.broadcast %broadcast_in_dim3A_39 : f32 to vector<16xf32>
      %swap3A_41 = arith.index_cast %scan3A_33 : i32 to index
      %swap3A_42 = arith.constant 16 : index
      %swap3A_43 = tpu.vector_load %arg8[%swap3A_41, %swap3A_42] {strides = array<i32>} : memref<128x128xf32, #tpu.memory_space<vmem>>, vector<1x16xf32>,
      %swap3A_44 = vector.shape_cast %swap3A_43 : vector<1x16xf32> to vector<16xf32>
      %swap3A_45 = vector.shape_cast %broadcast_in_dim3A_40 : vector<16xf32> to vector<1x16xf32>
      tpu.vector_store %arg8[%swap3A_41, %swap3A_42], %swap3A_45 {strides = array<i32>} : memref<128x128xf32, #tpu.memory_space<vmem>>, vector<1x16xf32>,
      %broadcast_in_dim3A_46 = arith.constant 0.000000e+00 : f32
      %broadcast_in_dim3A_47 = vector.broadcast %broadcast_in_dim3A_46 : f32 to vector<16xf32>
      %swap3A_48 = arith.index_cast %scan3A_33 : i32 to index
      %swap3A_49 = arith.constant 32 : index
      %swap3A_50 = tpu.vector_load %arg8[%swap3A_48, %swap3A_49] {strides = array<i32>} : memref<128x128xf32, #tpu.memory_space<vmem>>, vector<1x16xf32>,
      %swap3A_51 = vector.shape_cast %swap3A_50 : vector<1x16xf32> to vector<16xf32>
      %swap3A_52 = vector.shape_cast %broadcast_in_dim3A_47 : vector<16xf32> to vector<1x16xf32>
      tpu.vector_store %arg8[%swap3A_48, %swap3A_49], %swap3A_52 {strides = array<i32>} : memref<128x128xf32, #tpu.memory_space<vmem>>, vector<1x16xf32>,
      %broadcast_in_dim3A_53 = arith.constant 0.000000e+00 : f32
      %broadcast_in_dim3A_54 = vector.broadcast %broadcast_in_dim3A_53 : f32 to vector<16xf32>
      %swap3A_55 = arith.index_cast %scan3A_33 : i32 to index
      %swap3A_56 = arith.constant 48 : index
      %swap3A_57 = tpu.vector_load %arg8[%swap3A_55, %swap3A_56] {strides = array<i32>} : memref<128x128xf32, #tpu.memory_space<vmem>>, vector<1x16xf32>,
      %swap3A_58 = vector.shape_cast %swap3A_57 : vector<1x16xf32> to vector<16xf32>
      %swap3A_59 = vector.shape_cast %broadcast_in_dim3A_54 : vector<16xf32> to vector<1x16xf32>
      tpu.vector_store %arg8[%swap3A_55, %swap3A_56], %swap3A_59 {strides = array<i32>} : memref<128x128xf32, #tpu.memory_space<vmem>>, vector<1x16xf32>,
      %broadcast_in_dim3A_60 = arith.constant 0.000000e+00 : f32
      %broadcast_in_dim3A_61 = vector.broadcast %broadcast_in_dim3A_60 : f32 to vector<16xf32>
      %swap3A_62 = arith.index_cast %scan3A_33 : i32 to index
      %swap3A_63 = arith.constant 64 : index
      %swap3A_64 = tpu.vector_load %arg8[%swap3A_62, %swap3A_63] {strides = array<i32>} : memref<128x128xf32, #tpu.memory_space<vmem>>, vector<1x16xf32>,
      %swap3A_65 = vector.shape_cast %swap3A_64 : vector<1x16xf32> to vector<16xf32>
      %swap3A_66 = vector.shape_cast %broadcast_in_dim3A_61 : vector<16xf32> to vector<1x16xf32>
      tpu.vector_store %arg8[%swap3A_62, %swap3A_63], %swap3A_66 {strides = array<i32>} : memref<128x128xf32, #tpu.memory_space<vmem>>, vector<1x16xf32>,
      %broadcast_in_dim3A_67 = arith.constant 0.000000e+00 : f32
      %broadcast_in_dim3A_68 = vector.broadcast %broadcast_in_dim3A_67 : f32 to vector<16xf32>
      %swap3A_69 = arith.index_cast %scan3A_33 : i32 to index
      %swap3A_70 = arith.constant 80 : index
      %swap3A_71 = tpu.vector_load %arg8[%swap3A_69, %swap3A_70] {strides = array<i32>} : memref<128x128xf32, #tpu.memory_space<vmem>>, vector<1x16xf32>,
      %swap3A_72 = vector.shape_cast %swap3A_71 : vector<1x16xf32> to vector<16xf32>
      %swap3A_73 = vector.shape_cast %broadcast_in_dim3A_68 : vector<16xf32> to vector<1x16xf32>
      tpu.vector_store %arg8[%swap3A_69, %swap3A_70], %swap3A_73 {strides = array<i32>} : memref<128x128xf32, #tpu.memory_space<vmem>>, vector<1x16xf32>,
      %broadcast_in_dim3A_74 = arith.constant 0.000000e+00 : f32
      %broadcast_in_dim3A_75 = vector.broadcast %broadcast_in_dim3A_74 : f32 to vector<16xf32>
      %swap3A_76 = arith.index_cast %scan3A_33 : i32 to index
      %swap3A_77 = arith.constant 96 : index
      %swap3A_78 = tpu.vector_load %arg8[%swap3A_76, %swap3A_77] {strides = array<i32>} : memref<128x128xf32, #tpu.memory_space<vmem>>, vector<1x16xf32>,
      %swap3A_79 = vector.shape_cast %swap3A_78 : vector<1x16xf32> to vector<16xf32>
      %swap3A_80 = vector.shape_cast %broadcast_in_dim3A_75 : vector<16xf32> to vector<1x16xf32>
      tpu.vector_store %arg8[%swap3A_76, %swap3A_77], %swap3A_80 {strides = array<i32>} : memref<128x128xf32, #tpu.memory_space<vmem>>, vector<1x16xf32>,
      %broadcast_in_dim3A_81 = arith.constant 0.000000e+00 : f32
      %broadcast_in_dim3A_82 = vector.broadcast %broadcast_in_dim3A_81 : f32 to vector<16xf32>
      %swap3A_83 = arith.index_cast %scan3A_33 : i32 to index
      %swap3A_84 = arith.constant 112 : index
      %swap3A_85 = tpu.vector_load %arg8[%swap3A_83, %swap3A_84] {strides = array<i32>} : memref<128x128xf32, #tpu.memory_space<vmem>>, vector<1x16xf32>,
      %swap3A_86 = vector.shape_cast %swap3A_85 : vector<1x16xf32> to vector<16xf32>
      %swap3A_87 = vector.shape_cast %broadcast_in_dim3A_82 : vector<16xf32> to vector<1x16xf32>
      tpu.vector_store %arg8[%swap3A_83, %swap3A_84], %swap3A_87 {strides = array<i32>} : memref<128x128xf32, #tpu.memory_space<vmem>>, vector<1x16xf32>,
    }
    %scan3A_7 = arith.constant 128 : i32
    %scan3A_8 = arith.constant 0 : i32
    %scan3A_9 = arith.constant 0 : i32
    %scan3A_10 = arith.constant 4 : i32
    %scan3A_11 = arith.addi %scan3A_9, %scan3A_10 : i32
    %scan3A_12 = arith.constant 1 : i32
    scf.for %scan3A_33 = %scan3A_9 to %scan3A_11 step %scan3A_12  : i32 {
      %mul3A_34 = arith.constant 128 : i32
      %mul3A_35 = arith.muli %scan3A_33, %mul3A_34 : i32
      %add3A_36 = arith.addi %mul3A_2, %mul3A_35 : i32
      "tpu.region"() ({
        %run_scoped3A = tpu.sem_alloc : memref<!tpu.dma_semaphore, #tpu.memory_space<semaphore_mem>>
        %dma_start3A = arith.constant 0 : i32
        %dma_start3A_37 = tpu.memref_slice %arg9[%add3A_36, %dma_start3A] : memref<10112x128xf32, #tpu.memory_space<vmem_shared>> -> memref<128x128xf32, #tpu.memory_space<vmem_shared>>
        %dma_start3A_38 = arith.constant 0 : i32
        %dma_start3A_39 = tpu.memref_slice %arg9[%add3A_36, %dma_start3A_38] : memref<10112x128xf32, #tpu.memory_space<vmem_shared>> -> memref<128x128xf32, #tpu.memory_space<vmem_shared>>
        tpu.enqueue_dma source(%arg8 : memref<128x128xf32, #tpu.memory_space<vmem>>) target(%dma_start3A_39 : memref<128x128xf32, #tpu.memory_space<vmem_shared>>) target_semaphore(%run_scoped3A : memref<!tpu.dma_semaphore, #tpu.memory_space<semaphore_mem>>)
        %dma_wait3A = arith.constant 0 : i32
        %dma_wait3A_40 = tpu.memref_slice %arg9[%add3A_36, %dma_wait3A] : memref<10112x128xf32, #tpu.memory_space<vmem_shared>> -> memref<128x128xf32, #tpu.memory_space<vmem_shared>>
        %dma_wait3A_41 = arith.constant 0 : i32
        %dma_wait3A_42 = tpu.memref_slice %arg9[%add3A_36, %dma_wait3A_41] : memref<10112x128xf32, #tpu.memory_space<vmem_shared>> -> memref<128x128xf32, #tpu.memory_space<vmem_shared>>
        tpu.wait_dma2 semaphore(%run_scoped3A : memref<!tpu.dma_semaphore, #tpu.memory_space<semaphore_mem>>) src(%arg8 : memref<128x128xf32, #tpu.memory_space<vmem>>) dst(%dma_wait3A_42 : memref<128x128xf32, #tpu.memory_space<vmem_shared>>)
        tpu.yield
      }) : () -> ()
    }
    %scan3A_13 = arith.constant 4 : i32
    %add3A_14 = arith.constant 512 : i32
    %add3A_15 = arith.addi %mul3A_2, %add3A_14 : i32
    "tpu.region"() ({
      %run_scoped3A = tpu.sem_alloc : memref<!tpu.dma_semaphore, #tpu.memory_space<semaphore_mem>>
      %dma_start3A = arith.constant 0 : i32
      %dma_start3A_33 = arith.constant 0 : i32
      %dma_start3A_34 = tpu.memref_slice %arg8[%dma_start3A, %dma_start3A_33] : memref<128x128xf32, #tpu.memory_space<vmem>> -> memref<120x128xf32, #tpu.memory_space<vmem>>
      %dma_start3A_35 = arith.constant 0 : i32
      %dma_start3A_36 = tpu.memref_slice %arg9[%add3A_15, %dma_start3A_35] : memref<10112x128xf32, #tpu.memory_space<vmem_shared>> -> memref<120x128xf32, #tpu.memory_space<vmem_shared>>
      %dma_start3A_37 = arith.constant 0 : i32
      %dma_start3A_38 = tpu.memref_slice %arg9[%add3A_15, %dma_start3A_37] : memref<10112x128xf32, #tpu.memory_space<vmem_shared>> -> memref<120x128xf32, #tpu.memory_space<vmem_shared>>
      %dma_start3A_39 = arith.constant 0 : i32
      %dma_start3A_40 = arith.constant 0 : i32
      %dma_start3A_41 = tpu.memref_slice %arg8[%dma_start3A_39, %dma_start3A_40] : memref<128x128xf32, #tpu.memory_space<vmem>> -> memref<120x128xf32, #tpu.memory_space<vmem>>
      tpu.enqueue_dma source(%dma_start3A_41 : memref<120x128xf32, #tpu.memory_space<vmem>>) target(%dma_start3A_38 : memref<120x128xf32, #tpu.memory_space<vmem_shared>>) target_semaphore(%run_scoped3A : memref<!tpu.dma_semaphore, #tpu.memory_space<semaphore_mem>>)
      %dma_wait3A = arith.constant 0 : i32
      %dma_wait3A_42 = arith.constant 0 : i32
      %dma_wait3A_43 = tpu.memref_slice %arg8[%dma_wait3A, %dma_wait3A_42] : memref<128x128xf32, #tpu.memory_space<vmem>> -> memref<120x128xf32, #tpu.memory_space<vmem>>
      %dma_wait3A_44 = arith.constant 0 : i32
      %dma_wait3A_45 = tpu.memref_slice %arg9[%add3A_15, %dma_wait3A_44] : memref<10112x128xf32, #tpu.memory_space<vmem_shared>> -> memref<120x128xf32, #tpu.memory_space<vmem_shared>>
      %dma_wait3A_46 = arith.constant 0 : i32
      %dma_wait3A_47 = tpu.memref_slice %arg9[%add3A_15, %dma_wait3A_46] : memref<10112x128xf32, #tpu.memory_space<vmem_shared>> -> memref<120x128xf32, #tpu.memory_space<vmem_shared>>
      %dma_wait3A_48 = arith.constant 0 : i32
      %dma_wait3A_49 = arith.constant 0 : i32
      %dma_wait3A_50 = tpu.memref_slice %arg8[%dma_wait3A_48, %dma_wait3A_49] : memref<128x128xf32, #tpu.memory_space<vmem>> -> memref<120x128xf32, #tpu.memory_space<vmem>>
      tpu.wait_dma2 semaphore(%run_scoped3A : memref<!tpu.dma_semaphore, #tpu.memory_space<semaphore_mem>>) src(%dma_wait3A_50 : memref<120x128xf32, #tpu.memory_space<vmem>>) dst(%dma_wait3A_47 : memref<120x128xf32, #tpu.memory_space<vmem_shared>>)
      tpu.yield
    }) : () -> ()
    %barrier3A = arith.constant 0 : index
    tpu.barrier barrier_id(%barrier3A)
    %mul3A_16 = arith.constant 10112 : i32
    %mul3A_17 = arith.muli %add3A, %mul3A_16 : i32
    %scan3A_18 = arith.constant 0 : i32
    %scan3A_19 = arith.constant 0 : i32
    %scan3A_20 = arith.constant 79 : i32
    %scan3A_21 = arith.addi %scan3A_19, %scan3A_20 : i32
    %scan3A_22 = arith.constant 1 : i32
    scf.for %scan3A_33 = %scan3A_19 to %scan3A_21 step %scan3A_22  : i32 {
      %mul3A_34 = arith.constant 128 : i32
      %mul3A_35 = arith.muli %scan3A_33, %mul3A_34 : i32
      %add3A_36 = arith.addi %mul3A_17, %mul3A_35 : i32
      "tpu.region"() ({
        %run_scoped3A = tpu.sem_alloc : memref<!tpu.dma_semaphore, #tpu.memory_space<semaphore_mem>>
        %dma_start3A_41 = tpu.memref_slice %arg3[%add3A_36] : memref<323584xi32, #tpu.memory_space<hbm>> -> memref<128xi32, #tpu.memory_space<hbm>>
        %dma_start3A_42 = tpu.memref_slice %arg3[%add3A_36] : memref<323584xi32, #tpu.memory_space<hbm>> -> memref<128xi32, #tpu.memory_space<hbm>>
        tpu.enqueue_dma source(%dma_start3A_42 : memref<128xi32, #tpu.memory_space<hbm>>) target(%arg6 : memref<128xi32, #tpu.memory_space<vmem>>) target_semaphore(%run_scoped3A : memref<!tpu.dma_semaphore, #tpu.memory_space<semaphore_mem>>)
        %dma_wait3A_43 = tpu.memref_slice %arg3[%add3A_36] : memref<323584xi32, #tpu.memory_space<hbm>> -> memref<128xi32, #tpu.memory_space<hbm>>
        %dma_wait3A_44 = tpu.memref_slice %arg3[%add3A_36] : memref<323584xi32, #tpu.memory_space<hbm>> -> memref<128xi32, #tpu.memory_space<hbm>>
        tpu.wait_dma2 semaphore(%run_scoped3A : memref<!tpu.dma_semaphore, #tpu.memory_space<semaphore_mem>>) src(%dma_wait3A_44 : memref<128xi32, #tpu.memory_space<hbm>>) dst(%arg6 : memref<128xi32, #tpu.memory_space<vmem>>)
        tpu.yield
      }) : () -> ()
      "tpu.region"() ({
        %run_scoped3A = tpu.sem_alloc : memref<!tpu.dma_semaphore, #tpu.memory_space<semaphore_mem>>
        %dma_start3A_41 = tpu.memref_slice %arg4[%add3A_36] : memref<323584xi32, #tpu.memory_space<hbm>> -> memref<128xi32, #tpu.memory_space<hbm>>
        %dma_start3A_42 = tpu.memref_slice %arg4[%add3A_36] : memref<323584xi32, #tpu.memory_space<hbm>> -> memref<128xi32, #tpu.memory_space<hbm>>
        tpu.enqueue_dma source(%dma_start3A_42 : memref<128xi32, #tpu.memory_space<hbm>>) target(%arg7 : memref<128xi32, #tpu.memory_space<vmem>>) target_semaphore(%run_scoped3A : memref<!tpu.dma_semaphore, #tpu.memory_space<semaphore_mem>>)
        %dma_wait3A_43 = tpu.memref_slice %arg4[%add3A_36] : memref<323584xi32, #tpu.memory_space<hbm>> -> memref<128xi32, #tpu.memory_space<hbm>>
        %dma_wait3A_44 = tpu.memref_slice %arg4[%add3A_36] : memref<323584xi32, #tpu.memory_space<hbm>> -> memref<128xi32, #tpu.memory_space<hbm>>
        tpu.wait_dma2 semaphore(%run_scoped3A : memref<!tpu.dma_semaphore, #tpu.memory_space<semaphore_mem>>) src(%dma_wait3A_44 : memref<128xi32, #tpu.memory_space<hbm>>) dst(%arg7 : memref<128xi32, #tpu.memory_space<vmem>>)
        tpu.yield
      }) : () -> ()
      %dma_start3A = arith.constant 0 : i32
      %dma_start3A_37 = arith.constant 0 : i32
      %dma_start3A_38 = tpu.memref_slice %arg2[%dma_start3A, %dma_start3A_37] : memref<10000x128xf32, #tpu.memory_space<hbm>> -> memref<10000x128xf32, #tpu.memory_space<hbm>>
      tpu.enqueue_indirect_dma source(%dma_start3A_38 : memref<10000x128xf32, #tpu.memory_space<hbm>>) target(%arg8 : memref<128x128xf32, #tpu.memory_space<vmem>>) offsets(%arg6 : memref<128xi32, #tpu.memory_space<vmem>>) semaphore(%arg10 : memref<!tpu.dma_semaphore, #tpu.memory_space<semaphore_mem>>)
      %dma_wait3A = arith.constant 0 : i32
      %dma_wait3A_39 = arith.constant 0 : i32
      %dma_wait3A_40 = tpu.memref_slice %arg2[%dma_wait3A, %dma_wait3A_39] : memref<10000x128xf32, #tpu.memory_space<hbm>> -> memref<10000x128xf32, #tpu.memory_space<hbm>>
      tpu.wait_indirect_dma semaphore(%arg10 : memref<!tpu.dma_semaphore, #tpu.memory_space<semaphore_mem>>) src(%dma_wait3A_40 : memref<10000x128xf32, #tpu.memory_space<hbm>>) dst(%arg8 : memref<128x128xf32, #tpu.memory_space<vmem>>)
      "tpu.region"() ({
        %run_scoped3A = tpu.sem_alloc : memref<!tpu.dma_semaphore, #tpu.memory_space<semaphore_mem>>
        %dma_start3A_41 = arith.constant 0 : i32
        %dma_start3A_42 = arith.constant 0 : i32
        %dma_start3A_43 = tpu.memref_slice %arg9[%dma_start3A_41, %dma_start3A_42] : memref<10112x128xf32, #tpu.memory_space<vmem_shared>> -> memref<10112x128xf32, #tpu.memory_space<vmem_shared>>
        tpu.enqueue_indirect_dma source(%arg8 : memref<128x128xf32, #tpu.memory_space<vmem>>) target(%dma_start3A_43 : memref<10112x128xf32, #tpu.memory_space<vmem_shared>>) offsets(%arg7 : memref<128xi32, #tpu.memory_space<vmem>>) semaphore(%run_scoped3A : memref<!tpu.dma_semaphore, #tpu.memory_space<semaphore_mem>>) {add = true}
        %dma_wait3A_44 = arith.constant 0 : i32
        %dma_wait3A_45 = arith.constant 0 : i32
        %dma_wait3A_46 = tpu.memref_slice %arg9[%dma_wait3A_44, %dma_wait3A_45] : memref<10112x128xf32, #tpu.memory_space<vmem_shared>> -> memref<10112x128xf32, #tpu.memory_space<vmem_shared>>
        tpu.wait_indirect_dma semaphore(%run_scoped3A : memref<!tpu.dma_semaphore, #tpu.memory_space<semaphore_mem>>) src(%arg8 : memref<128x128xf32, #tpu.memory_space<vmem>>) dst(%dma_wait3A_46 : memref<10112x128xf32, #tpu.memory_space<vmem_shared>>)
        tpu.yield
      }) : () -> ()
    }
    %scan3A_23 = arith.constant 79 : i32
    %barrier3A_24 = arith.constant 0 : index
    tpu.barrier barrier_id(%barrier3A_24)
    %scan3A_25 = arith.constant 0 : i32
    %scan3A_26 = arith.constant 0 : i32
    %scan3A_27 = arith.constant 4 : i32
    %scan3A_28 = arith.addi %scan3A_26, %scan3A_27 : i32
    %scan3A_29 = arith.constant 1 : i32
    scf.for %scan3A_33 = %scan3A_26 to %scan3A_28 step %scan3A_29  : i32 {
      %mul3A_34 = arith.constant 128 : i32
      %mul3A_35 = arith.muli %scan3A_33, %mul3A_34 : i32
      %add3A_36 = arith.addi %mul3A_2, %mul3A_35 : i32
      "tpu.region"() ({
        %run_scoped3A = tpu.sem_alloc : memref<!tpu.dma_semaphore, #tpu.memory_space<semaphore_mem>>
        %dma_start3A = arith.constant 0 : i32
        %dma_start3A_37 = tpu.memref_slice %arg9[%add3A_36, %dma_start3A] : memref<10112x128xf32, #tpu.memory_space<vmem_shared>> -> memref<128x128xf32, #tpu.memory_space<vmem_shared>>
        %dma_start3A_38 = arith.constant 0 : i32
        %dma_start3A_39 = tpu.memref_slice %arg9[%add3A_36, %dma_start3A_38] : memref<10112x128xf32, #tpu.memory_space<vmem_shared>> -> memref<128x128xf32, #tpu.memory_space<vmem_shared>>
        tpu.enqueue_dma source(%dma_start3A_39 : memref<128x128xf32, #tpu.memory_space<vmem_shared>>) target(%arg8 : memref<128x128xf32, #tpu.memory_space<vmem>>) target_semaphore(%run_scoped3A : memref<!tpu.dma_semaphore, #tpu.memory_space<semaphore_mem>>)
        %dma_wait3A = arith.constant 0 : i32
        %dma_wait3A_40 = tpu.memref_slice %arg9[%add3A_36, %dma_wait3A] : memref<10112x128xf32, #tpu.memory_space<vmem_shared>> -> memref<128x128xf32, #tpu.memory_space<vmem_shared>>
        %dma_wait3A_41 = arith.constant 0 : i32
        %dma_wait3A_42 = tpu.memref_slice %arg9[%add3A_36, %dma_wait3A_41] : memref<10112x128xf32, #tpu.memory_space<vmem_shared>> -> memref<128x128xf32, #tpu.memory_space<vmem_shared>>
        tpu.wait_dma2 semaphore(%run_scoped3A : memref<!tpu.dma_semaphore, #tpu.memory_space<semaphore_mem>>) src(%dma_wait3A_42 : memref<128x128xf32, #tpu.memory_space<vmem_shared>>) dst(%arg8 : memref<128x128xf32, #tpu.memory_space<vmem>>)
        tpu.yield
      }) : () -> ()
      "tpu.region"() ({
        %run_scoped3A = tpu.sem_alloc : memref<!tpu.dma_semaphore, #tpu.memory_space<semaphore_mem>>
        %dma_start3A = arith.constant 0 : i32
        %dma_start3A_37 = tpu.memref_slice %arg5[%arg0, %add3A_36, %dma_start3A] : memref<2x10112x128xf32, #tpu.memory_space<hbm>> -> memref<1x128x128xf32, #tpu.memory_space<hbm>>
        %dma_start3A_38 = tpu.memref_squeeze %dma_start3A_37 : memref<1x128x128xf32, #tpu.memory_space<hbm>> -> memref<128x128xf32, #tpu.memory_space<hbm>>
        %dma_start3A_39 = arith.constant 0 : i32
        %dma_start3A_40 = tpu.memref_slice %arg5[%arg0, %add3A_36, %dma_start3A_39] : memref<2x10112x128xf32, #tpu.memory_space<hbm>> -> memref<1x128x128xf32, #tpu.memory_space<hbm>>
        %dma_start3A_41 = tpu.memref_squeeze %dma_start3A_40 : memref<1x128x128xf32, #tpu.memory_space<hbm>> -> memref<128x128xf32, #tpu.memory_space<hbm>>
        tpu.enqueue_dma source(%arg8 : memref<128x128xf32, #tpu.memory_space<vmem>>) target(%dma_start3A_41 : memref<128x128xf32, #tpu.memory_space<hbm>>) target_semaphore(%run_scoped3A : memref<!tpu.dma_semaphore, #tpu.memory_space<semaphore_mem>>)
        %dma_wait3A = arith.constant 0 : i32
        %dma_wait3A_42 = tpu.memref_slice %arg5[%arg0, %add3A_36, %dma_wait3A] : memref<2x10112x128xf32, #tpu.memory_space<hbm>> -> memref<1x128x128xf32, #tpu.memory_space<hbm>>
        %dma_wait3A_43 = tpu.memref_squeeze %dma_wait3A_42 : memref<1x128x128xf32, #tpu.memory_space<hbm>> -> memref<128x128xf32, #tpu.memory_space<hbm>>
        %dma_wait3A_44 = arith.constant 0 : i32
        %dma_wait3A_45 = tpu.memref_slice %arg5[%arg0, %add3A_36, %dma_wait3A_44] : memref<2x10112x128xf32, #tpu.memory_space<hbm>> -> memref<1x128x128xf32, #tpu.memory_space<hbm>>
        %dma_wait3A_46 = tpu.memref_squeeze %dma_wait3A_45 : memref<1x128x128xf32, #tpu.memory_space<hbm>> -> memref<128x128xf32, #tpu.memory_space<hbm>>
        tpu.wait_dma2 semaphore(%run_scoped3A : memref<!tpu.dma_semaphore, #tpu.memory_space<semaphore_mem>>) src(%arg8 : memref<128x128xf32, #tpu.memory_space<vmem>>) dst(%dma_wait3A_46 : memref<128x128xf32, #tpu.memory_space<hbm>>)
        tpu.yield
      }) : () -> ()
    }
    %scan3A_30 = arith.constant 4 : i32
    %add3A_31 = arith.constant 512 : i32
    %add3A_32 = arith.addi %mul3A_2, %add3A_31 : i32
    "tpu.region"() ({
      %run_scoped3A = tpu.sem_alloc : memref<!tpu.dma_semaphore, #tpu.memory_space<semaphore_mem>>
      %dma_start3A = arith.constant 0 : i32
      %dma_start3A_33 = arith.constant 0 : i32
      %dma_start3A_34 = tpu.memref_slice %arg8[%dma_start3A, %dma_start3A_33] : memref<128x128xf32, #tpu.memory_space<vmem>> -> memref<120x128xf32, #tpu.memory_space<vmem>>
      %dma_start3A_35 = arith.constant 0 : i32
      %dma_start3A_36 = tpu.memref_slice %arg9[%add3A_32, %dma_start3A_35] : memref<10112x128xf32, #tpu.memory_space<vmem_shared>> -> memref<120x128xf32, #tpu.memory_space<vmem_shared>>
      %dma_start3A_37 = arith.constant 0 : i32
      %dma_start3A_38 = arith.constant 0 : i32
      %dma_start3A_39 = tpu.memref_slice %arg8[%dma_start3A_37, %dma_start3A_38] : memref<128x128xf32, #tpu.memory_space<vmem>> -> memref<120x128xf32, #tpu.memory_space<vmem>>
      %dma_start3A_40 = arith.constant 0 : i32
      %dma_start3A_41 = tpu.memref_slice %arg9[%add3A_32, %dma_start3A_40] : memref<10112x128xf32, #tpu.memory_space<vmem_shared>> -> memref<120x128xf32, #tpu.memory_space<vmem_shared>>
      tpu.enqueue_dma source(%dma_start3A_41 : memref<120x128xf32, #tpu.memory_space<vmem_shared>>) target(%dma_start3A_39 : memref<120x128xf32, #tpu.memory_space<vmem>>) target_semaphore(%run_scoped3A : memref<!tpu.dma_semaphore, #tpu.memory_space<semaphore_mem>>)
      %dma_wait3A = arith.constant 0 : i32
      %dma_wait3A_42 = arith.constant 0 : i32
      %dma_wait3A_43 = tpu.memref_slice %arg8[%dma_wait3A, %dma_wait3A_42] : memref<128x128xf32, #tpu.memory_space<vmem>> -> memref<120x128xf32, #tpu.memory_space<vmem>>
      %dma_wait3A_44 = arith.constant 0 : i32
      %dma_wait3A_45 = tpu.memref_slice %arg9[%add3A_32, %dma_wait3A_44] : memref<10112x128xf32, #tpu.memory_space<vmem_shared>> -> memref<120x128xf32, #tpu.memory_space<vmem_shared>>
      %dma_wait3A_46 = arith.constant 0 : i32
      %dma_wait3A_47 = arith.constant 0 : i32
      %dma_wait3A_48 = tpu.memref_slice %arg8[%dma_wait3A_46, %dma_wait3A_47] : memref<128x128xf32, #tpu.memory_space<vmem>> -> memref<120x128xf32, #tpu.memory_space<vmem>>
      %dma_wait3A_49 = arith.constant 0 : i32
      %dma_wait3A_50 = tpu.memref_slice %arg9[%add3A_32, %dma_wait3A_49] : memref<10112x128xf32, #tpu.memory_space<vmem_shared>> -> memref<120x128xf32, #tpu.memory_space<vmem_shared>>
      tpu.wait_dma2 semaphore(%run_scoped3A : memref<!tpu.dma_semaphore, #tpu.memory_space<semaphore_mem>>) src(%dma_wait3A_50 : memref<120x128xf32, #tpu.memory_space<vmem_shared>>) dst(%dma_wait3A_48 : memref<120x128xf32, #tpu.memory_space<vmem>>)
      tpu.yield
    }) : () -> ()
    "tpu.region"() ({
      %run_scoped3A = tpu.sem_alloc : memref<!tpu.dma_semaphore, #tpu.memory_space<semaphore_mem>>
      %dma_start3A = arith.constant 0 : i32
      %dma_start3A_33 = arith.constant 0 : i32
      %dma_start3A_34 = tpu.memref_slice %arg8[%dma_start3A, %dma_start3A_33] : memref<128x128xf32, #tpu.memory_space<vmem>> -> memref<120x128xf32, #tpu.memory_space<vmem>>
      %dma_start3A_35 = arith.constant 0 : i32
      %dma_start3A_36 = tpu.memref_slice %arg5[%arg0, %add3A_32, %dma_start3A_35] : memref<2x10112x128xf32, #tpu.memory_space<hbm>> -> memref<1x120x128xf32, #tpu.memory_space<hbm>>
      %dma_start3A_37 = tpu.memref_squeeze %dma_start3A_36 : memref<1x120x128xf32, #tpu.memory_space<hbm>> -> memref<120x128xf32, #tpu.memory_space<hbm>>
      %dma_start3A_38 = arith.constant 0 : i32
      %dma_start3A_39 = tpu.memref_slice %arg5[%arg0, %add3A_32, %dma_start3A_38] : memref<2x10112x128xf32, #tpu.memory_space<hbm>> -> memref<1x120x128xf32, #tpu.memory_space<hbm>>
      %dma_start3A_40 = tpu.memref_squeeze %dma_start3A_39 : memref<1x120x128xf32, #tpu.memory_space<hbm>> -> memref<120x128xf32, #tpu.memory_space<hbm>>
      %dma_start3A_41 = arith.constant 0 : i32
      %dma_start3A_42 = arith.constant 0 : i32
      %dma_start3A_43 = tpu.memref_slice %arg8[%dma_start3A_41, %dma_start3A_42] : memref<128x128xf32, #tpu.memory_space<vmem>> -> memref<120x128xf32, #tpu.memory_space<vmem>>
      tpu.enqueue_dma source(%dma_start3A_43 : memref<120x128xf32, #tpu.memory_space<vmem>>) target(%dma_start3A_40 : memref<120x128xf32, #tpu.memory_space<hbm>>) target_semaphore(%run_scoped3A : memref<!tpu.dma_semaphore, #tpu.memory_space<semaphore_mem>>)
      %dma_wait3A = arith.constant 0 : i32
      %dma_wait3A_44 = arith.constant 0 : i32
      %dma_wait3A_45 = tpu.memref_slice %arg8[%dma_wait3A, %dma_wait3A_44] : memref<128x128xf32, #tpu.memory_space<vmem>> -> memref<120x128xf32, #tpu.memory_space<vmem>>
      %dma_wait3A_46 = arith.constant 0 : i32
      %dma_wait3A_47 = tpu.memref_slice %arg5[%arg0, %add3A_32, %dma_wait3A_46] : memref<2x10112x128xf32, #tpu.memory_space<hbm>> -> memref<1x120x128xf32, #tpu.memory_space<hbm>>
      %dma_wait3A_48 = tpu.memref_squeeze %dma_wait3A_47 : memref<1x120x128xf32, #tpu.memory_space<hbm>> -> memref<120x128xf32, #tpu.memory_space<hbm>>
      %dma_wait3A_49 = arith.constant 0 : i32
      %dma_wait3A_50 = tpu.memref_slice %arg5[%arg0, %add3A_32, %dma_wait3A_49] : memref<2x10112x128xf32, #tpu.memory_space<hbm>> -> memref<1x120x128xf32, #tpu.memory_space<hbm>>
      %dma_wait3A_51 = tpu.memref_squeeze %dma_wait3A_50 : memref<1x120x128xf32, #tpu.memory_space<hbm>> -> memref<120x128xf32, #tpu.memory_space<hbm>>
      %dma_wait3A_52 = arith.constant 0 : i32
      %dma_wait3A_53 = arith.constant 0 : i32
      %dma_wait3A_54 = tpu.memref_slice %arg8[%dma_wait3A_52, %dma_wait3A_53] : memref<128x128xf32, #tpu.memory_space<vmem>> -> memref<120x128xf32, #tpu.memory_space<vmem>>
      tpu.wait_dma2 semaphore(%run_scoped3A : memref<!tpu.dma_semaphore, #tpu.memory_space<semaphore_mem>>) src(%dma_wait3A_54 : memref<120x128xf32, #tpu.memory_space<vmem>>) dst(%dma_wait3A_51 : memref<120x128xf32, #tpu.memory_space<hbm>>)
      tpu.yield
    }) : () -> ()
    return
  }
}

#map = affine_map<(d0, d1) -> (0, 0)>
#map1 = affine_map<(d0, d1) -> (0)>
#map2 = affine_map<(d0, d1) -> (0, 0, 0)>
module attributes {stable_mosaic.version = 14 : i64} {
  func.func @body(%arg0: i32, %arg1: i32, %arg2: memref<10000x128xf32, #tpu.memory_space<hbm>>, %arg3: memref<323584xi32, #tpu.memory_space<hbm>>, %arg4: memref<323584xi32, #tpu.memory_space<hbm>>, %arg5: memref<2x10112x128xf32, #tpu.memory_space<hbm>>, %arg6: memref<128xi32, #tpu.memory_space<vmem>>, %arg7: memref<128xi32, #tpu.memory_space<vmem>>, %arg8: memref<128x128xf32, #tpu.memory_space<vmem>>, %arg9: memref<10112x128xf32, #tpu.memory_space<vmem_shared>>, %arg10: memref<!tpu.dma_semaphore, #tpu.memory_space<semaphore_mem>>) attributes {dimension_semantics = [#tpu.dimension_semantics<core_parallel>, #tpu.dimension_semantics<subcore_parallel>], iteration_bounds = array<i64: 2, 16>, scalar_prefetch = 0 : i64, scratch_operands = 5 : i64, tpu.core_type = #tpu.core_type<sc_vector_subcore>, window_params = [{transform_indices = #map}, {transform_indices = #map1}, {transform_indices = #map1}, {transform_indices = #map2}]} {
    %mul3A = arith.constant 16 : i32
    %mul3A_0 = arith.muli %arg0, %mul3A : i32
    %add3A = arith.addi %mul3A_0, %arg1 : i32
    %mul3A_1 = arith.constant 632 : i32
    %mul3A_2 = arith.muli %arg1, %mul3A_1 : i32
    %scan3A = arith.constant 0 : i32
    %scan3A_3 = arith.constant 0 : i32
    %scan3A_4 = arith.constant 128 : i32
    %scan3A_5 = arith.addi %scan3A_3, %scan3A_4 : i32
    %scan3A_6 = arith.constant 1 : i32
    scf.for %scan3A_33 = %scan3A_3 to %scan3A_5 step %scan3A_6  : i32 {
      %broadcast_in_dim3A = arith.constant 0.000000e+00 : f32
      %broadcast_in_dim3A_34 = vector.broadcast %broadcast_in_dim3A : f32 to vector<16xf32>
      %swap3A = arith.index_cast %scan3A_33 : i32 to index
      %swap3A_35 = arith.constant 0 : index
      %swap3A_36 = tpu.vector_load %arg8[%swap3A, %swap3A_35] {strides = array<i32>} : memref<128x128xf32, #tpu.memory_space<vmem>>, vector<1x16xf32>,
      %swap3A_37 = vector.shape_cast %swap3A_36 : vector<1x16xf32> to vector<16xf32>
      %swap3A_38 = vector.shape_cast %broadcast_in_dim3A_34 : vector<16xf32> to vector<1x16xf32>
      tpu.vector_store %arg8[%swap3A, %swap3A_35], %swap3A_38 {strides = array<i32>} : memref<128x128xf32, #tpu.memory_space<vmem>>, vector<1x16xf32>,
      %broadcast_in_dim3A_39 = arith.constant 0.000000e+00 : f32
      %broadcast_in_dim3A_40 = vector.broadcast %broadcast_in_dim3A_39 : f32 to vector<16xf32>
      %swap3A_41 = arith.index_cast %scan3A_33 : i32 to index
      %swap3A_42 = arith.constant 16 : index
      %swap3A_43 = tpu.vector_load %arg8[%swap3A_41, %swap3A_42] {strides = array<i32>} : memref<128x128xf32, #tpu.memory_space<vmem>>, vector<1x16xf32>,
      %swap3A_44 = vector.shape_cast %swap3A_43 : vector<1x16xf32> to vector<16xf32>
      %swap3A_45 = vector.shape_cast %broadcast_in_dim3A_40 : vector<16xf32> to vector<1x16xf32>
      tpu.vector_store %arg8[%swap3A_41, %swap3A_42], %swap3A_45 {strides = array<i32>} : memref<128x128xf32, #tpu.memory_space<vmem>>, vector<1x16xf32>,
      %broadcast_in_dim3A_46 = arith.constant 0.000000e+00 : f32
      %broadcast_in_dim3A_47 = vector.broadcast %broadcast_in_dim3A_46 : f32 to vector<16xf32>
      %swap3A_48 = arith.index_cast %scan3A_33 : i32 to index
      %swap3A_49 = arith.constant 32 : index
      %swap3A_50 = tpu.vector_load %arg8[%swap3A_48, %swap3A_49] {strides = array<i32>} : memref<128x128xf32, #tpu.memory_space<vmem>>, vector<1x16xf32>,
      %swap3A_51 = vector.shape_cast %swap3A_50 : vector<1x16xf32> to vector<16xf32>
      %swap3A_52 = vector.shape_cast %broadcast_in_dim3A_47 : vector<16xf32> to vector<1x16xf32>
      tpu.vector_store %arg8[%swap3A_48, %swap3A_49], %swap3A_52 {strides = array<i32>} : memref<128x128xf32, #tpu.memory_space<vmem>>, vector<1x16xf32>,
      %broadcast_in_dim3A_53 = arith.constant 0.000000e+00 : f32
      %broadcast_in_dim3A_54 = vector.broadcast %broadcast_in_dim3A_53 : f32 to vector<16xf32>
      %swap3A_55 = arith.index_cast %scan3A_33 : i32 to index
      %swap3A_56 = arith.constant 48 : index
      %swap3A_57 = tpu.vector_load %arg8[%swap3A_55, %swap3A_56] {strides = array<i32>} : memref<128x128xf32, #tpu.memory_space<vmem>>, vector<1x16xf32>,
      %swap3A_58 = vector.shape_cast %swap3A_57 : vector<1x16xf32> to vector<16xf32>
      %swap3A_59 = vector.shape_cast %broadcast_in_dim3A_54 : vector<16xf32> to vector<1x16xf32>
      tpu.vector_store %arg8[%swap3A_55, %swap3A_56], %swap3A_59 {strides = array<i32>} : memref<128x128xf32, #tpu.memory_space<vmem>>, vector<1x16xf32>,
      %broadcast_in_dim3A_60 = arith.constant 0.000000e+00 : f32
      %broadcast_in_dim3A_61 = vector.broadcast %broadcast_in_dim3A_60 : f32 to vector<16xf32>
      %swap3A_62 = arith.index_cast %scan3A_33 : i32 to index
      %swap3A_63 = arith.constant 64 : index
      %swap3A_64 = tpu.vector_load %arg8[%swap3A_62, %swap3A_63] {strides = array<i32>} : memref<128x128xf32, #tpu.memory_space<vmem>>, vector<1x16xf32>,
      %swap3A_65 = vector.shape_cast %swap3A_64 : vector<1x16xf32> to vector<16xf32>
      %swap3A_66 = vector.shape_cast %broadcast_in_dim3A_61 : vector<16xf32> to vector<1x16xf32>
      tpu.vector_store %arg8[%swap3A_62, %swap3A_63], %swap3A_66 {strides = array<i32>} : memref<128x128xf32, #tpu.memory_space<vmem>>, vector<1x16xf32>,
      %broadcast_in_dim3A_67 = arith.constant 0.000000e+00 : f32
      %broadcast_in_dim3A_68 = vector.broadcast %broadcast_in_dim3A_67 : f32 to vector<16xf32>
      %swap3A_69 = arith.index_cast %scan3A_33 : i32 to index
      %swap3A_70 = arith.constant 80 : index
      %swap3A_71 = tpu.vector_load %arg8[%swap3A_69, %swap3A_70] {strides = array<i32>} : memref<128x128xf32, #tpu.memory_space<vmem>>, vector<1x16xf32>,
      %swap3A_72 = vector.shape_cast %swap3A_71 : vector<1x16xf32> to vector<16xf32>
      %swap3A_73 = vector.shape_cast %broadcast_in_dim3A_68 : vector<16xf32> to vector<1x16xf32>
      tpu.vector_store %arg8[%swap3A_69, %swap3A_70], %swap3A_73 {strides = array<i32>} : memref<128x128xf32, #tpu.memory_space<vmem>>, vector<1x16xf32>,
      %broadcast_in_dim3A_74 = arith.constant 0.000000e+00 : f32
      %broadcast_in_dim3A_75 = vector.broadcast %broadcast_in_dim3A_74 : f32 to vector<16xf32>
      %swap3A_76 = arith.index_cast %scan3A_33 : i32 to index
      %swap3A_77 = arith.constant 96 : index
      %swap3A_78 = tpu.vector_load %arg8[%swap3A_76, %swap3A_77] {strides = array<i32>} : memref<128x128xf32, #tpu.memory_space<vmem>>, vector<1x16xf32>,
      %swap3A_79 = vector.shape_cast %swap3A_78 : vector<1x16xf32> to vector<16xf32>
      %swap3A_80 = vector.shape_cast %broadcast_in_dim3A_75 : vector<16xf32> to vector<1x16xf32>
      tpu.vector_store %arg8[%swap3A_76, %swap3A_77], %swap3A_80 {strides = array<i32>} : memref<128x128xf32, #tpu.memory_space<vmem>>, vector<1x16xf32>,
      %broadcast_in_dim3A_81 = arith.constant 0.000000e+00 : f32
      %broadcast_in_dim3A_82 = vector.broadcast %broadcast_in_dim3A_81 : f32 to vector<16xf32>
      %swap3A_83 = arith.index_cast %scan3A_33 : i32 to index
      %swap3A_84 = arith.constant 112 : index
      %swap3A_85 = tpu.vector_load %arg8[%swap3A_83, %swap3A_84] {strides = array<i32>} : memref<128x128xf32, #tpu.memory_space<vmem>>, vector<1x16xf32>,
      %swap3A_86 = vector.shape_cast %swap3A_85 : vector<1x16xf32> to vector<16xf32>
      %swap3A_87 = vector.shape_cast %broadcast_in_dim3A_82 : vector<16xf32> to vector<1x16xf32>
      tpu.vector_store %arg8[%swap3A_83, %swap3A_84], %swap3A_87 {strides = array<i32>} : memref<128x128xf32, #tpu.memory_space<vmem>>, vector<1x16xf32>,
    }
    %scan3A_7 = arith.constant 128 : i32
    %scan3A_8 = arith.constant 0 : i32
    %scan3A_9 = arith.constant 0 : i32
    %scan3A_10 = arith.constant 4 : i32
    %scan3A_11 = arith.addi %scan3A_9, %scan3A_10 : i32
    %scan3A_12 = arith.constant 1 : i32
    scf.for %scan3A_33 = %scan3A_9 to %scan3A_11 step %scan3A_12  : i32 {
      %mul3A_34 = arith.constant 128 : i32
      %mul3A_35 = arith.muli %scan3A_33, %mul3A_34 : i32
      %add3A_36 = arith.addi %mul3A_2, %mul3A_35 : i32
      "tpu.region"() ({
        %run_scoped3A = tpu.sem_alloc : memref<!tpu.dma_semaphore, #tpu.memory_space<semaphore_mem>>
        %dma_start3A = arith.constant 0 : i32
        %dma_start3A_37 = tpu.memref_slice %arg9[%add3A_36, %dma_start3A] : memref<10112x128xf32, #tpu.memory_space<vmem_shared>> -> memref<128x128xf32, #tpu.memory_space<vmem_shared>>
        %dma_start3A_38 = arith.constant 0 : i32
        %dma_start3A_39 = tpu.memref_slice %arg9[%add3A_36, %dma_start3A_38] : memref<10112x128xf32, #tpu.memory_space<vmem_shared>> -> memref<128x128xf32, #tpu.memory_space<vmem_shared>>
        tpu.enqueue_dma source(%arg8 : memref<128x128xf32, #tpu.memory_space<vmem>>) target(%dma_start3A_39 : memref<128x128xf32, #tpu.memory_space<vmem_shared>>) target_semaphore(%run_scoped3A : memref<!tpu.dma_semaphore, #tpu.memory_space<semaphore_mem>>)
        %dma_wait3A = arith.constant 0 : i32
        %dma_wait3A_40 = tpu.memref_slice %arg9[%add3A_36, %dma_wait3A] : memref<10112x128xf32, #tpu.memory_space<vmem_shared>> -> memref<128x128xf32, #tpu.memory_space<vmem_shared>>
        %dma_wait3A_41 = arith.constant 0 : i32
        %dma_wait3A_42 = tpu.memref_slice %arg9[%add3A_36, %dma_wait3A_41] : memref<10112x128xf32, #tpu.memory_space<vmem_shared>> -> memref<128x128xf32, #tpu.memory_space<vmem_shared>>
        tpu.wait_dma2 semaphore(%run_scoped3A : memref<!tpu.dma_semaphore, #tpu.memory_space<semaphore_mem>>) src(%arg8 : memref<128x128xf32, #tpu.memory_space<vmem>>) dst(%dma_wait3A_42 : memref<128x128xf32, #tpu.memory_space<vmem_shared>>)
        tpu.yield
      }) : () -> ()
    }
    %scan3A_13 = arith.constant 4 : i32
    %add3A_14 = arith.constant 512 : i32
    %add3A_15 = arith.addi %mul3A_2, %add3A_14 : i32
    "tpu.region"() ({
      %run_scoped3A = tpu.sem_alloc : memref<!tpu.dma_semaphore, #tpu.memory_space<semaphore_mem>>
      %dma_start3A = arith.constant 0 : i32
      %dma_start3A_33 = arith.constant 0 : i32
      %dma_start3A_34 = tpu.memref_slice %arg8[%dma_start3A, %dma_start3A_33] : memref<128x128xf32, #tpu.memory_space<vmem>> -> memref<120x128xf32, #tpu.memory_space<vmem>>
      %dma_start3A_35 = arith.constant 0 : i32
      %dma_start3A_36 = tpu.memref_slice %arg9[%add3A_15, %dma_start3A_35] : memref<10112x128xf32, #tpu.memory_space<vmem_shared>> -> memref<120x128xf32, #tpu.memory_space<vmem_shared>>
      %dma_start3A_37 = arith.constant 0 : i32
      %dma_start3A_38 = tpu.memref_slice %arg9[%add3A_15, %dma_start3A_37] : memref<10112x128xf32, #tpu.memory_space<vmem_shared>> -> memref<120x128xf32, #tpu.memory_space<vmem_shared>>
      %dma_start3A_39 = arith.constant 0 : i32
      %dma_start3A_40 = arith.constant 0 : i32
      %dma_start3A_41 = tpu.memref_slice %arg8[%dma_start3A_39, %dma_start3A_40] : memref<128x128xf32, #tpu.memory_space<vmem>> -> memref<120x128xf32, #tpu.memory_space<vmem>>
      tpu.enqueue_dma source(%dma_start3A_41 : memref<120x128xf32, #tpu.memory_space<vmem>>) target(%dma_start3A_38 : memref<120x128xf32, #tpu.memory_space<vmem_shared>>) target_semaphore(%run_scoped3A : memref<!tpu.dma_semaphore, #tpu.memory_space<semaphore_mem>>)
      %dma_wait3A = arith.constant 0 : i32
      %dma_wait3A_42 = arith.constant 0 : i32
      %dma_wait3A_43 = tpu.memref_slice %arg8[%dma_wait3A, %dma_wait3A_42] : memref<128x128xf32, #tpu.memory_space<vmem>> -> memref<120x128xf32, #tpu.memory_space<vmem>>
      %dma_wait3A_44 = arith.constant 0 : i32
      %dma_wait3A_45 = tpu.memref_slice %arg9[%add3A_15, %dma_wait3A_44] : memref<10112x128xf32, #tpu.memory_space<vmem_shared>> -> memref<120x128xf32, #tpu.memory_space<vmem_shared>>
      %dma_wait3A_46 = arith.constant 0 : i32
      %dma_wait3A_47 = tpu.memref_slice %arg9[%add3A_15, %dma_wait3A_46] : memref<10112x128xf32, #tpu.memory_space<vmem_shared>> -> memref<120x128xf32, #tpu.memory_space<vmem_shared>>
      %dma_wait3A_48 = arith.constant 0 : i32
      %dma_wait3A_49 = arith.constant 0 : i32
      %dma_wait3A_50 = tpu.memref_slice %arg8[%dma_wait3A_48, %dma_wait3A_49] : memref<128x128xf32, #tpu.memory_space<vmem>> -> memref<120x128xf32, #tpu.memory_space<vmem>>
      tpu.wait_dma2 semaphore(%run_scoped3A : memref<!tpu.dma_semaphore, #tpu.memory_space<semaphore_mem>>) src(%dma_wait3A_50 : memref<120x128xf32, #tpu.memory_space<vmem>>) dst(%dma_wait3A_47 : memref<120x128xf32, #tpu.memory_space<vmem_shared>>)
      tpu.yield
    }) : () -> ()
    %barrier3A = arith.constant 0 : index
    tpu.barrier barrier_id(%barrier3A)
    %mul3A_16 = arith.constant 10112 : i32
    %mul3A_17 = arith.muli %add3A, %mul3A_16 : i32
    %scan3A_18 = arith.constant 0 : i32
    %scan3A_19 = arith.constant 0 : i32
    %scan3A_20 = arith.constant 79 : i32
    %scan3A_21 = arith.addi %scan3A_19, %scan3A_20 : i32
    %scan3A_22 = arith.constant 1 : i32
    scf.for %scan3A_33 = %scan3A_19 to %scan3A_21 step %scan3A_22  : i32 {
      %mul3A_34 = arith.constant 128 : i32
      %mul3A_35 = arith.muli %scan3A_33, %mul3A_34 : i32
      %add3A_36 = arith.addi %mul3A_17, %mul3A_35 : i32
      "tpu.region"() ({
        %run_scoped3A = tpu.sem_alloc : memref<!tpu.dma_semaphore, #tpu.memory_space<semaphore_mem>>
        %dma_start3A_41 = tpu.memref_slice %arg3[%add3A_36] : memref<323584xi32, #tpu.memory_space<hbm>> -> memref<128xi32, #tpu.memory_space<hbm>>
        %dma_start3A_42 = tpu.memref_slice %arg3[%add3A_36] : memref<323584xi32, #tpu.memory_space<hbm>> -> memref<128xi32, #tpu.memory_space<hbm>>
        tpu.enqueue_dma source(%dma_start3A_42 : memref<128xi32, #tpu.memory_space<hbm>>) target(%arg6 : memref<128xi32, #tpu.memory_space<vmem>>) target_semaphore(%run_scoped3A : memref<!tpu.dma_semaphore, #tpu.memory_space<semaphore_mem>>)
        %dma_wait3A_43 = tpu.memref_slice %arg3[%add3A_36] : memref<323584xi32, #tpu.memory_space<hbm>> -> memref<128xi32, #tpu.memory_space<hbm>>
        %dma_wait3A_44 = tpu.memref_slice %arg3[%add3A_36] : memref<323584xi32, #tpu.memory_space<hbm>> -> memref<128xi32, #tpu.memory_space<hbm>>
        tpu.wait_dma2 semaphore(%run_scoped3A : memref<!tpu.dma_semaphore, #tpu.memory_space<semaphore_mem>>) src(%dma_wait3A_44 : memref<128xi32, #tpu.memory_space<hbm>>) dst(%arg6 : memref<128xi32, #tpu.memory_space<vmem>>)
        tpu.yield
      }) : () -> ()
      "tpu.region"() ({
        %run_scoped3A = tpu.sem_alloc : memref<!tpu.dma_semaphore, #tpu.memory_space<semaphore_mem>>
        %dma_start3A_41 = tpu.memref_slice %arg4[%add3A_36] : memref<323584xi32, #tpu.memory_space<hbm>> -> memref<128xi32, #tpu.memory_space<hbm>>
        %dma_start3A_42 = tpu.memref_slice %arg4[%add3A_36] : memref<323584xi32, #tpu.memory_space<hbm>> -> memref<128xi32, #tpu.memory_space<hbm>>
        tpu.enqueue_dma source(%dma_start3A_42 : memref<128xi32, #tpu.memory_space<hbm>>) target(%arg7 : memref<128xi32, #tpu.memory_space<vmem>>) target_semaphore(%run_scoped3A : memref<!tpu.dma_semaphore, #tpu.memory_space<semaphore_mem>>)
        %dma_wait3A_43 = tpu.memref_slice %arg4[%add3A_36] : memref<323584xi32, #tpu.memory_space<hbm>> -> memref<128xi32, #tpu.memory_space<hbm>>
        %dma_wait3A_44 = tpu.memref_slice %arg4[%add3A_36] : memref<323584xi32, #tpu.memory_space<hbm>> -> memref<128xi32, #tpu.memory_space<hbm>>
        tpu.wait_dma2 semaphore(%run_scoped3A : memref<!tpu.dma_semaphore, #tpu.memory_space<semaphore_mem>>) src(%dma_wait3A_44 : memref<128xi32, #tpu.memory_space<hbm>>) dst(%arg7 : memref<128xi32, #tpu.memory_space<vmem>>)
        tpu.yield
      }) : () -> ()
      %dma_start3A = arith.constant 0 : i32
      %dma_start3A_37 = arith.constant 0 : i32
      %dma_start3A_38 = tpu.memref_slice %arg2[%dma_start3A, %dma_start3A_37] : memref<10000x128xf32, #tpu.memory_space<hbm>> -> memref<10000x128xf32, #tpu.memory_space<hbm>>
      tpu.enqueue_indirect_dma source(%dma_start3A_38 : memref<10000x128xf32, #tpu.memory_space<hbm>>) target(%arg8 : memref<128x128xf32, #tpu.memory_space<vmem>>) offsets(%arg6 : memref<128xi32, #tpu.memory_space<vmem>>) semaphore(%arg10 : memref<!tpu.dma_semaphore, #tpu.memory_space<semaphore_mem>>)
      %dma_wait3A = arith.constant 0 : i32
      %dma_wait3A_39 = arith.constant 0 : i32
      %dma_wait3A_40 = tpu.memref_slice %arg2[%dma_wait3A, %dma_wait3A_39] : memref<10000x128xf32, #tpu.memory_space<hbm>> -> memref<10000x128xf32, #tpu.memory_space<hbm>>
      tpu.wait_indirect_dma semaphore(%arg10 : memref<!tpu.dma_semaphore, #tpu.memory_space<semaphore_mem>>) src(%dma_wait3A_40 : memref<10000x128xf32, #tpu.memory_space<hbm>>) dst(%arg8 : memref<128x128xf32, #tpu.memory_space<vmem>>)
      "tpu.region"() ({
        %run_scoped3A = tpu.sem_alloc : memref<!tpu.dma_semaphore, #tpu.memory_space<semaphore_mem>>
        %dma_start3A_41 = arith.constant 0 : i32
        %dma_start3A_42 = arith.constant 0 : i32
        %dma_start3A_43 = tpu.memref_slice %arg9[%dma_start3A_41, %dma_start3A_42] : memref<10112x128xf32, #tpu.memory_space<vmem_shared>> -> memref<10112x128xf32, #tpu.memory_space<vmem_shared>>
        tpu.enqueue_indirect_dma source(%arg8 : memref<128x128xf32, #tpu.memory_space<vmem>>) target(%dma_start3A_43 : memref<10112x128xf32, #tpu.memory_space<vmem_shared>>) offsets(%arg7 : memref<128xi32, #tpu.memory_space<vmem>>) semaphore(%run_scoped3A : memref<!tpu.dma_semaphore, #tpu.memory_space<semaphore_mem>>) {add = true}
        %dma_wait3A_44 = arith.constant 0 : i32
        %dma_wait3A_45 = arith.constant 0 : i32
        %dma_wait3A_46 = tpu.memref_slice %arg9[%dma_wait3A_44, %dma_wait3A_45] : memref<10112x128xf32, #tpu.memory_space<vmem_shared>> -> memref<10112x128xf32, #tpu.memory_space<vmem_shared>>
        tpu.wait_indirect_dma semaphore(%run_scoped3A : memref<!tpu.dma_semaphore, #tpu.memory_space<semaphore_mem>>) src(%arg8 : memref<128x128xf32, #tpu.memory_space<vmem>>) dst(%dma_wait3A_46 : memref<10112x128xf32, #tpu.memory_space<vmem_shared>>)
        tpu.yield
      }) : () -> ()
    }
    %scan3A_23 = arith.constant 79 : i32
    %barrier3A_24 = arith.constant 0 : index
    tpu.barrier barrier_id(%barrier3A_24)
    %scan3A_25 = arith.constant 0 : i32
    %scan3A_26 = arith.constant 0 : i32
    %scan3A_27 = arith.constant 4 : i32
    %scan3A_28 = arith.addi %scan3A_26, %scan3A_27 : i32
    %scan3A_29 = arith.constant 1 : i32
    scf.for %scan3A_33 = %scan3A_26 to %scan3A_28 step %scan3A_29  : i32 {
      %mul3A_34 = arith.constant 128 : i32
      %mul3A_35 = arith.muli %scan3A_33, %mul3A_34 : i32
      %add3A_36 = arith.addi %mul3A_2, %mul3A_35 : i32
      "tpu.region"() ({
        %run_scoped3A = tpu.sem_alloc : memref<!tpu.dma_semaphore, #tpu.memory_space<semaphore_mem>>
        %dma_start3A = arith.constant 0 : i32
        %dma_start3A_37 = tpu.memref_slice %arg9[%add3A_36, %dma_start3A] : memref<10112x128xf32, #tpu.memory_space<vmem_shared>> -> memref<128x128xf32, #tpu.memory_space<vmem_shared>>
        %dma_start3A_38 = arith.constant 0 : i32
        %dma_start3A_39 = tpu.memref_slice %arg9[%add3A_36, %dma_start3A_38] : memref<10112x128xf32, #tpu.memory_space<vmem_shared>> -> memref<128x128xf32, #tpu.memory_space<vmem_shared>>
        tpu.enqueue_dma source(%dma_start3A_39 : memref<128x128xf32, #tpu.memory_space<vmem_shared>>) target(%arg8 : memref<128x128xf32, #tpu.memory_space<vmem>>) target_semaphore(%run_scoped3A : memref<!tpu.dma_semaphore, #tpu.memory_space<semaphore_mem>>)
        %dma_wait3A = arith.constant 0 : i32
        %dma_wait3A_40 = tpu.memref_slice %arg9[%add3A_36, %dma_wait3A] : memref<10112x128xf32, #tpu.memory_space<vmem_shared>> -> memref<128x128xf32, #tpu.memory_space<vmem_shared>>
        %dma_wait3A_41 = arith.constant 0 : i32
        %dma_wait3A_42 = tpu.memref_slice %arg9[%add3A_36, %dma_wait3A_41] : memref<10112x128xf32, #tpu.memory_space<vmem_shared>> -> memref<128x128xf32, #tpu.memory_space<vmem_shared>>
        tpu.wait_dma2 semaphore(%run_scoped3A : memref<!tpu.dma_semaphore, #tpu.memory_space<semaphore_mem>>) src(%dma_wait3A_42 : memref<128x128xf32, #tpu.memory_space<vmem_shared>>) dst(%arg8 : memref<128x128xf32, #tpu.memory_space<vmem>>)
        tpu.yield
      }) : () -> ()
      "tpu.region"() ({
        %run_scoped3A = tpu.sem_alloc : memref<!tpu.dma_semaphore, #tpu.memory_space<semaphore_mem>>
        %dma_start3A = arith.constant 0 : i32
        %dma_start3A_37 = tpu.memref_slice %arg5[%arg0, %add3A_36, %dma_start3A] : memref<2x10112x128xf32, #tpu.memory_space<hbm>> -> memref<1x128x128xf32, #tpu.memory_space<hbm>>
        %dma_start3A_38 = tpu.memref_squeeze %dma_start3A_37 : memref<1x128x128xf32, #tpu.memory_space<hbm>> -> memref<128x128xf32, #tpu.memory_space<hbm>>
        %dma_start3A_39 = arith.constant 0 : i32
        %dma_start3A_40 = tpu.memref_slice %arg5[%arg0, %add3A_36, %dma_start3A_39] : memref<2x10112x128xf32, #tpu.memory_space<hbm>> -> memref<1x128x128xf32, #tpu.memory_space<hbm>>
        %dma_start3A_41 = tpu.memref_squeeze %dma_start3A_40 : memref<1x128x128xf32, #tpu.memory_space<hbm>> -> memref<128x128xf32, #tpu.memory_space<hbm>>
        tpu.enqueue_dma source(%arg8 : memref<128x128xf32, #tpu.memory_space<vmem>>) target(%dma_start3A_41 : memref<128x128xf32, #tpu.memory_space<hbm>>) target_semaphore(%run_scoped3A : memref<!tpu.dma_semaphore, #tpu.memory_space<semaphore_mem>>)
        %dma_wait3A = arith.constant 0 : i32
        %dma_wait3A_42 = tpu.memref_slice %arg5[%arg0, %add3A_36, %dma_wait3A] : memref<2x10112x128xf32, #tpu.memory_space<hbm>> -> memref<1x128x128xf32, #tpu.memory_space<hbm>>
        %dma_wait3A_43 = tpu.memref_squeeze %dma_wait3A_42 : memref<1x128x128xf32, #tpu.memory_space<hbm>> -> memref<128x128xf32, #tpu.memory_space<hbm>>
        %dma_wait3A_44 = arith.constant 0 : i32
        %dma_wait3A_45 = tpu.memref_slice %arg5[%arg0, %add3A_36, %dma_wait3A_44] : memref<2x10112x128xf32, #tpu.memory_space<hbm>> -> memref<1x128x128xf32, #tpu.memory_space<hbm>>
        %dma_wait3A_46 = tpu.memref_squeeze %dma_wait3A_45 : memref<1x128x128xf32, #tpu.memory_space<hbm>> -> memref<128x128xf32, #tpu.memory_space<hbm>>
        tpu.wait_dma2 semaphore(%run_scoped3A : memref<!tpu.dma_semaphore, #tpu.memory_space<semaphore_mem>>) src(%arg8 : memref<128x128xf32, #tpu.memory_space<vmem>>) dst(%dma_wait3A_46 : memref<128x128xf32, #tpu.memory_space<hbm>>)
        tpu.yield
      }) : () -> ()
    }
    %scan3A_30 = arith.constant 4 : i32
    %add3A_31 = arith.constant 512 : i32
    %add3A_32 = arith.addi %mul3A_2, %add3A_31 : i32
    "tpu.region"() ({
      %run_scoped3A = tpu.sem_alloc : memref<!tpu.dma_semaphore, #tpu.memory_space<semaphore_mem>>
      %dma_start3A = arith.constant 0 : i32
      %dma_start3A_33 = arith.constant 0 : i32
      %dma_start3A_34 = tpu.memref_slice %arg8[%dma_start3A, %dma_start3A_33] : memref<128x128xf32, #tpu.memory_space<vmem>> -> memref<120x128xf32, #tpu.memory_space<vmem>>
      %dma_start3A_35 = arith.constant 0 : i32
      %dma_start3A_36 = tpu.memref_slice %arg9[%add3A_32, %dma_start3A_35] : memref<10112x128xf32, #tpu.memory_space<vmem_shared>> -> memref<120x128xf32, #tpu.memory_space<vmem_shared>>
      %dma_start3A_37 = arith.constant 0 : i32
      %dma_start3A_38 = arith.constant 0 : i32
      %dma_start3A_39 = tpu.memref_slice %arg8[%dma_start3A_37, %dma_start3A_38] : memref<128x128xf32, #tpu.memory_space<vmem>> -> memref<120x128xf32, #tpu.memory_space<vmem>>
      %dma_start3A_40 = arith.constant 0 : i32
      %dma_start3A_41 = tpu.memref_slice %arg9[%add3A_32, %dma_start3A_40] : memref<10112x128xf32, #tpu.memory_space<vmem_shared>> -> memref<120x128xf32, #tpu.memory_space<vmem_shared>>
      tpu.enqueue_dma source(%dma_start3A_41 : memref<120x128xf32, #tpu.memory_space<vmem_shared>>) target(%dma_start3A_39 : memref<120x128xf32, #tpu.memory_space<vmem>>) target_semaphore(%run_scoped3A : memref<!tpu.dma_semaphore, #tpu.memory_space<semaphore_mem>>)
      %dma_wait3A = arith.constant 0 : i32
      %dma_wait3A_42 = arith.constant 0 : i32
      %dma_wait3A_43 = tpu.memref_slice %arg8[%dma_wait3A, %dma_wait3A_42] : memref<128x128xf32, #tpu.memory_space<vmem>> -> memref<120x128xf32, #tpu.memory_space<vmem>>
      %dma_wait3A_44 = arith.constant 0 : i32
      %dma_wait3A_45 = tpu.memref_slice %arg9[%add3A_32, %dma_wait3A_44] : memref<10112x128xf32, #tpu.memory_space<vmem_shared>> -> memref<120x128xf32, #tpu.memory_space<vmem_shared>>
      %dma_wait3A_46 = arith.constant 0 : i32
      %dma_wait3A_47 = arith.constant 0 : i32
      %dma_wait3A_48 = tpu.memref_slice %arg8[%dma_wait3A_46, %dma_wait3A_47] : memref<128x128xf32, #tpu.memory_space<vmem>> -> memref<120x128xf32, #tpu.memory_space<vmem>>
      %dma_wait3A_49 = arith.constant 0 : i32
      %dma_wait3A_50 = tpu.memref_slice %arg9[%add3A_32, %dma_wait3A_49] : memref<10112x128xf32, #tpu.memory_space<vmem_shared>> -> memref<120x128xf32, #tpu.memory_space<vmem_shared>>
      tpu.wait_dma2 semaphore(%run_scoped3A : memref<!tpu.dma_semaphore, #tpu.memory_space<semaphore_mem>>) src(%dma_wait3A_50 : memref<120x128xf32, #tpu.memory_space<vmem_shared>>) dst(%dma_wait3A_48 : memref<120x128xf32, #tpu.memory_space<vmem>>)
      tpu.yield
    }) : () -> ()
    "tpu.region"() ({
      %run_scoped3A = tpu.sem_alloc : memref<!tpu.dma_semaphore, #tpu.memory_space<semaphore_mem>>
      %dma_start3A = arith.constant 0 : i32
      %dma_start3A_33 = arith.constant 0 : i32
      %dma_start3A_34 = tpu.memref_slice %arg8[%dma_start3A, %dma_start3A_33] : memref<128x128xf32, #tpu.memory_space<vmem>> -> memref<120x128xf32, #tpu.memory_space<vmem>>
      %dma_start3A_35 = arith.constant 0 : i32
      %dma_start3A_36 = tpu.memref_slice %arg5[%arg0, %add3A_32, %dma_start3A_35] : memref<2x10112x128xf32, #tpu.memory_space<hbm>> -> memref<1x120x128xf32, #tpu.memory_space<hbm>>
      %dma_start3A_37 = tpu.memref_squeeze %dma_start3A_36 : memref<1x120x128xf32, #tpu.memory_space<hbm>> -> memref<120x128xf32, #tpu.memory_space<hbm>>
      %dma_start3A_38 = arith.constant 0 : i32
      %dma_start3A_39 = tpu.memref_slice %arg5[%arg0, %add3A_32, %dma_start3A_38] : memref<2x10112x128xf32, #tpu.memory_space<hbm>> -> memref<1x120x128xf32, #tpu.memory_space<hbm>>
      %dma_start3A_40 = tpu.memref_squeeze %dma_start3A_39 : memref<1x120x128xf32, #tpu.memory_space<hbm>> -> memref<120x128xf32, #tpu.memory_space<hbm>>
      %dma_start3A_41 = arith.constant 0 : i32
      %dma_start3A_42 = arith.constant 0 : i32
      %dma_start3A_43 = tpu.memref_slice %arg8[%dma_start3A_41, %dma_start3A_42] : memref<128x128xf32, #tpu.memory_space<vmem>> -> memref<120x128xf32, #tpu.memory_space<vmem>>
      tpu.enqueue_dma source(%dma_start3A_43 : memref<120x128xf32, #tpu.memory_space<vmem>>) target(%dma_start3A_40 : memref<120x128xf32, #tpu.memory_space<hbm>>) target_semaphore(%run_scoped3A : memref<!tpu.dma_semaphore, #tpu.memory_space<semaphore_mem>>)
      %dma_wait3A = arith.constant 0 : i32
      %dma_wait3A_44 = arith.constant 0 : i32
      %dma_wait3A_45 = tpu.memref_slice %arg8[%dma_wait3A, %dma_wait3A_44] : memref<128x128xf32, #tpu.memory_space<vmem>> -> memref<120x128xf32, #tpu.memory_space<vmem>>
      %dma_wait3A_46 = arith.constant 0 : i32
      %dma_wait3A_47 = tpu.memref_slice %arg5[%arg0, %add3A_32, %dma_wait3A_46] : memref<2x10112x128xf32, #tpu.memory_space<hbm>> -> memref<1x120x128xf32, #tpu.memory_space<hbm>>
      %dma_wait3A_48 = tpu.memref_squeeze %dma_wait3A_47 : memref<1x120x128xf32, #tpu.memory_space<hbm>> -> memref<120x128xf32, #tpu.memory_space<hbm>>
      %dma_wait3A_49 = arith.constant 0 : i32
      %dma_wait3A_50 = tpu.memref_slice %arg5[%arg0, %add3A_32, %dma_wait3A_49] : memref<2x10112x128xf32, #tpu.memory_space<hbm>> -> memref<1x120x128xf32, #tpu.memory_space<hbm>>
      %dma_wait3A_51 = tpu.memref_squeeze %dma_wait3A_50 : memref<1x120x128xf32, #tpu.memory_space<hbm>> -> memref<120x128xf32, #tpu.memory_space<hbm>>
      %dma_wait3A_52 = arith.constant 0 : i32
      %dma_wait3A_53 = arith.constant 0 : i32
      %dma_wait3A_54 = tpu.memref_slice %arg8[%dma_wait3A_52, %dma_wait3A_53] : memref<128x128xf32, #tpu.memory_space<vmem>> -> memref<120x128xf32, #tpu.memory_space<vmem>>
      tpu.wait_dma2 semaphore(%run_scoped3A : memref<!tpu.dma_semaphore, #tpu.memory_space<semaphore_mem>>) src(%dma_wait3A_54 : memref<120x128xf32, #tpu.memory_space<vmem>>) dst(%dma_wait3A_51 : memref<120x128xf32, #tpu.memory_space<hbm>>)
      tpu.yield
    }) : () -> ()
    return
  }
}

#map = affine_map<(d0, d1) -> (0)>
module attributes {stable_mosaic.version = 14 : i64} {
  func.func @body(%arg0: i32, %arg1: i32, %arg2: memref<323584xi32, #tpu.memory_space<hbm>>, %arg3: memref<323584xf32, #tpu.memory_space<hbm>>, %arg4: memref<10112xi32, #tpu.memory_space<vmem>>, %arg5: memref<10112xf32, #tpu.memory_space<vmem>>) attributes {dimension_semantics = [#tpu.dimension_semantics<core_parallel>, #tpu.dimension_semantics<subcore_parallel>], iteration_bounds = array<i64: 2, 16>, scalar_prefetch = 0 : i64, scratch_operands = 2 : i64, tpu.core_type = #tpu.core_type<sc_vector_subcore>, window_params = [{transform_indices = #map}, {transform_indices = #map}]} {
    %mul3A = arith.constant 16 : i32
    %mul3A_0 = arith.muli %arg0, %mul3A : i32
    %add3A = arith.addi %mul3A_0, %arg1 : i32
    %mul3A_1 = arith.constant 10112 : i32
    %mul3A_2 = arith.muli %add3A, %mul3A_1 : i32
    "tpu.region"() ({
      %run_scoped3A = tpu.sem_alloc : memref<!tpu.dma_semaphore, #tpu.memory_space<semaphore_mem>>
      %dma_start3A = tpu.memref_slice %arg2[%mul3A_2] : memref<323584xi32, #tpu.memory_space<hbm>> -> memref<10112xi32, #tpu.memory_space<hbm>>
      %dma_start3A_16 = tpu.memref_slice %arg2[%mul3A_2] : memref<323584xi32, #tpu.memory_space<hbm>> -> memref<10112xi32, #tpu.memory_space<hbm>>
      tpu.enqueue_dma source(%dma_start3A_16 : memref<10112xi32, #tpu.memory_space<hbm>>) target(%arg4 : memref<10112xi32, #tpu.memory_space<vmem>>) target_semaphore(%run_scoped3A : memref<!tpu.dma_semaphore, #tpu.memory_space<semaphore_mem>>)
      %dma_wait3A = tpu.memref_slice %arg2[%mul3A_2] : memref<323584xi32, #tpu.memory_space<hbm>> -> memref<10112xi32, #tpu.memory_space<hbm>>
      %dma_wait3A_17 = tpu.memref_slice %arg2[%mul3A_2] : memref<323584xi32, #tpu.memory_space<hbm>> -> memref<10112xi32, #tpu.memory_space<hbm>>
      tpu.wait_dma2 semaphore(%run_scoped3A : memref<!tpu.dma_semaphore, #tpu.memory_space<semaphore_mem>>) src(%dma_wait3A_17 : memref<10112xi32, #tpu.memory_space<hbm>>) dst(%arg4 : memref<10112xi32, #tpu.memory_space<vmem>>)
      tpu.yield
    }) : () -> ()
    %scan3A = arith.constant 0 : i32
    %scan3A_3 = arith.constant 0 : i32
    %scan3A_4 = arith.constant 632 : i32
    %scan3A_5 = arith.addi %scan3A_3, %scan3A_4 : i32
    %scan3A_6 = arith.constant 1 : i32
    scf.for %scan3A_16 = %scan3A_3 to %scan3A_5 step %scan3A_6  : i32 {
      %broadcast_in_dim3A = arith.constant 0.000000e+00 : f32
      %broadcast_in_dim3A_17 = vector.broadcast %broadcast_in_dim3A : f32 to vector<16xf32>
      %mul3A_18 = arith.constant 16 : i32
      %mul3A_19 = arith.muli %scan3A_16, %mul3A_18 : i32
      %swap3A = arith.index_cast %mul3A_19 : i32 to index
      %swap3A_20 = tpu.vector_load %arg5[%swap3A] {strides = array<i32>} : memref<10112xf32, #tpu.memory_space<vmem>>, vector<16xf32>,
      tpu.vector_store %arg5[%swap3A], %broadcast_in_dim3A_17 {strides = array<i32>} : memref<10112xf32, #tpu.memory_space<vmem>>, vector<16xf32>,
    }
    %scan3A_7 = arith.constant 632 : i32
    %scan3A_8 = arith.constant 0 : i32
    %scan3A_9 = arith.constant 0 : i32
    %scan3A_10 = arith.constant 632 : i32
    %scan3A_11 = arith.addi %scan3A_9, %scan3A_10 : i32
    %scan3A_12 = arith.constant 1 : i32
    scf.for %scan3A_16 = %scan3A_9 to %scan3A_11 step %scan3A_12  : i32 {
      %mul3A_17 = arith.constant 16 : i32
      %mul3A_18 = arith.muli %scan3A_16, %mul3A_17 : i32
      %get3A = arith.index_cast %mul3A_18 : i32 to index
      %get3A_19 = tpu.vector_load %arg4[%get3A] {strides = array<i32>} : memref<10112xi32, #tpu.memory_space<vmem>>, vector<16xi32>,
      %broadcast_in_dim3A = arith.constant true
      %broadcast_in_dim3A_20 = vector.broadcast %broadcast_in_dim3A : i1 to vector<16xi1>
      %unique3A, %unique3A_21 = tpu.scan_count mask(%broadcast_in_dim3A_20 : vector<16xi1>) value(%get3A_19 : vector<16xi32>) : vector<16xi1>, vector<16xi32>
      %convert_element_type3A = arith.sitofp %unique3A_21 : vector<16xi32> to vector<16xf32>
      tpu.vector_store_idx %arg5[%get3A_19], %convert_element_type3A masked %unique3A {add = true} : memref<10112xf32, #tpu.memory_space<vmem>>[vector<16xi32>], vector<16xf32>, vector<16xi1>
    }
    %scan3A_13 = arith.constant 632 : i32
    %mul3A_14 = arith.constant 10112 : i32
    %mul3A_15 = arith.muli %add3A, %mul3A_14 : i32
    "tpu.region"() ({
      %run_scoped3A = tpu.sem_alloc : memref<!tpu.dma_semaphore, #tpu.memory_space<semaphore_mem>>
      %dma_start3A = tpu.memref_slice %arg3[%mul3A_15] : memref<323584xf32, #tpu.memory_space<hbm>> -> memref<10112xf32, #tpu.memory_space<hbm>>
      %dma_start3A_16 = tpu.memref_slice %arg3[%mul3A_15] : memref<323584xf32, #tpu.memory_space<hbm>> -> memref<10112xf32, #tpu.memory_space<hbm>>
      tpu.enqueue_dma source(%arg5 : memref<10112xf32, #tpu.memory_space<vmem>>) target(%dma_start3A_16 : memref<10112xf32, #tpu.memory_space<hbm>>) target_semaphore(%run_scoped3A : memref<!tpu.dma_semaphore, #tpu.memory_space<semaphore_mem>>)
      %dma_wait3A = tpu.memref_slice %arg3[%mul3A_15] : memref<323584xf32, #tpu.memory_space<hbm>> -> memref<10112xf32, #tpu.memory_space<hbm>>
      %dma_wait3A_17 = tpu.memref_slice %arg3[%mul3A_15] : memref<323584xf32, #tpu.memory_space<hbm>> -> memref<10112xf32, #tpu.memory_space<hbm>>
      tpu.wait_dma2 semaphore(%run_scoped3A : memref<!tpu.dma_semaphore, #tpu.memory_space<semaphore_mem>>) src(%arg5 : memref<10112xf32, #tpu.memory_space<vmem>>) dst(%dma_wait3A_17 : memref<10112xf32, #tpu.memory_space<hbm>>)
      tpu.yield
    }) : () -> ()
    return
  }
}

module attributes {stable_mosaic.version = 14 : i64} {
  func.func @_dual_mm_body(%arg0: i32, %arg1: memref<1000x128xf32, #tpu.memory_space<vmem>>, %arg2: memref<128x128xf32, #tpu.memory_space<vmem>>, %arg3: memref<128x128xf32, #tpu.memory_space<vmem>>, %arg4: memref<1000x128xf32, #tpu.memory_space<vmem>>, %arg5: memref<1000x128xf32, #tpu.memory_space<vmem>>) attributes {dimension_semantics = [#tpu.dimension_semantics<arbitrary>], iteration_bounds = array<i64: 10>, scalar_prefetch = 0 : i64, scratch_operands = 0 : i64, tpu.core_type = #tpu.core_type<tc>, window_params = [{transform_indices = @transform_0, window_bounds = array<i64: 1000, 128>}, {pipeline_mode = #tpu.pipeline_mode<synchronous>, transform_indices = @transform_1, window_bounds = array<i64: 128, 128>}, {pipeline_mode = #tpu.pipeline_mode<synchronous>, transform_indices = @transform_2, window_bounds = array<i64: 128, 128>}, {transform_indices = @transform_3, window_bounds = array<i64: 1000, 128>}, {transform_indices = @transform_4, window_bounds = array<i64: 1000, 128>}]} {
    %get3A = arith.constant 0 : index
    %get3A_0 = arith.constant 0 : index
    %get3A_1 = vector.load %arg1[%get3A, %get3A_0] : memref<1000x128xf32, #tpu.memory_space<vmem>>, vector<1000x128xf32>
    %get3A_2 = arith.constant 0 : index
    %get3A_3 = arith.constant 0 : index
    %get3A_4 = vector.load %arg2[%get3A_2, %get3A_3] : memref<128x128xf32, #tpu.memory_space<vmem>>, vector<128x128xf32>
    %dot_general3A = arith.constant dense<0.000000e+00> : vector<1000x128xf32>
    %dot_general3A_5 = tpu.matmul %get3A_1, %get3A_4, %dot_general3A {dimension_numbers = #tpu.dot_dimension_numbers<[1], [1], [0], [0], [0, 0, 1, 0], [], []>, transpose_lhs_hint = false} : vector<1000x128xf32>, vector<128x128xf32>, vector<1000x128xf32> -> vector<1000x128xf32>
    %swap3A = arith.constant 0 : index
    %swap3A_6 = arith.constant 0 : index
    %swap3A_7 = vector.load %arg4[%swap3A, %swap3A_6] : memref<1000x128xf32, #tpu.memory_space<vmem>>, vector<1000x128xf32>
    tpu.vector_store %arg4[%swap3A, %swap3A_6], %dot_general3A_5 {strides = array<i32>} : memref<1000x128xf32, #tpu.memory_space<vmem>>, vector<1000x128xf32>,
    %get3A_8 = arith.constant 0 : index
    %get3A_9 = arith.constant 0 : index
    %get3A_10 = vector.load %arg3[%get3A_8, %get3A_9] : memref<128x128xf32, #tpu.memory_space<vmem>>, vector<128x128xf32>
    %dot_general3A_11 = arith.constant dense<0.000000e+00> : vector<1000x128xf32>
    %dot_general3A_12 = tpu.matmul %get3A_1, %get3A_10, %dot_general3A_11 {dimension_numbers = #tpu.dot_dimension_numbers<[1], [1], [0], [0], [0, 0, 1, 0], [], []>, transpose_lhs_hint = false} : vector<1000x128xf32>, vector<128x128xf32>, vector<1000x128xf32> -> vector<1000x128xf32>
    %swap3A_13 = arith.constant 0 : index
    %swap3A_14 = arith.constant 0 : index
    %swap3A_15 = vector.load %arg5[%swap3A_13, %swap3A_14] : memref<1000x128xf32, #tpu.memory_space<vmem>>, vector<1000x128xf32>
    tpu.vector_store %arg5[%swap3A_13, %swap3A_14], %dot_general3A_12 {strides = array<i32>} : memref<1000x128xf32, #tpu.memory_space<vmem>>, vector<1000x128xf32>,
    return
  }
  func.func @transform_0(%arg0: i32) -> (i32, i32) {
    %c0_i32 = arith.constant 0 : i32
    %c0_i32_0 = arith.constant 0 : i32
    return %arg0, %c0_i32 : i32, i32
  }
  func.func @transform_1(%arg0: i32) -> (i32, i32) {
    %c0_i32 = arith.constant 0 : i32
    %c0_i32_0 = arith.constant 0 : i32
    %c0_i32_1 = arith.constant 0 : i32
    return %c0_i32, %c0_i32_0 : i32, i32
  }
  func.func @transform_2(%arg0: i32) -> (i32, i32) {
    %c0_i32 = arith.constant 0 : i32
    %c0_i32_0 = arith.constant 0 : i32
    %c0_i32_1 = arith.constant 0 : i32
    return %c0_i32, %c0_i32_0 : i32, i32
  }
  func.func @transform_3(%arg0: i32) -> (i32, i32) {
    %c0_i32 = arith.constant 0 : i32
    %c0_i32_0 = arith.constant 0 : i32
    return %arg0, %c0_i32 : i32, i32
  }
  func.func @transform_4(%arg0: i32) -> (i32, i32) {
    %c0_i32 = arith.constant 0 : i32
    %c0_i32_0 = arith.constant 0 : i32
    return %arg0, %c0_i32 : i32, i32
  }
}

module attributes {stable_mosaic.version = 14 : i64} {
  func.func @_mid_body(%arg0: i32, %arg1: memref<2x1000x128xf32, #tpu.memory_space<vmem>>, %arg2: memref<1000x32xf32, #tpu.memory_space<vmem>>, %arg3: memref<1000x128xf32, #tpu.memory_space<vmem>>, %arg4: memref<1x128xf32, #tpu.memory_space<vmem>>, %arg5: memref<128x128xf32, #tpu.memory_space<vmem>>, %arg6: memref<128x128xf32, #tpu.memory_space<vmem>>, %arg7: memref<1000x128xf32, #tpu.memory_space<vmem>>, %arg8: memref<1000x128xf32, #tpu.memory_space<vmem>>, %arg9: memref<1000x8xf32, #tpu.memory_space<vmem>>) attributes {dimension_semantics = [#tpu.dimension_semantics<arbitrary>], iteration_bounds = array<i64: 10>, scalar_prefetch = 0 : i64, scratch_operands = 0 : i64, tpu.core_type = #tpu.core_type<tc>, window_params = [{transform_indices = @transform_0, window_bounds = array<i64: 2, 1000, 128>}, {transform_indices = @transform_1, window_bounds = array<i64: 1000, 32>}, {transform_indices = @transform_2, window_bounds = array<i64: 1000, 128>}, {pipeline_mode = #tpu.pipeline_mode<synchronous>, transform_indices = @transform_3, window_bounds = array<i64: 1, 128>}, {pipeline_mode = #tpu.pipeline_mode<synchronous>, transform_indices = @transform_4, window_bounds = array<i64: 128, 128>}, {pipeline_mode = #tpu.pipeline_mode<synchronous>, transform_indices = @transform_5, window_bounds = array<i64: 128, 128>}, {transform_indices = @transform_6, window_bounds = array<i64: 1000, 128>}, {transform_indices = @transform_7, window_bounds = array<i64: 1000, 128>}, {transform_indices = @transform_8, window_bounds = array<i64: 1000, 8>}]} {
    %get3A = arith.constant 0 : index
    %get3A_0 = arith.constant 0 : index
    %get3A_1 = arith.constant 0 : index
    %get3A_2 = vector.load %arg1[%get3A, %get3A_0, %get3A_1] : memref<2x1000x128xf32, #tpu.memory_space<vmem>>, vector<2x1000x128xf32>
    %slice3A = vector.extract_strided_slice %get3A_2 {offsets = [0, 0, 0], sizes = [1, 1000, 128], strides = [1, 1, 1]} : vector<2x1000x128xf32> to vector<1x1000x128xf32>
    %squeeze3A = vector.shape_cast %slice3A : vector<1x1000x128xf32> to vector<1000x128xf32>
    %slice3A_3 = vector.extract_strided_slice %get3A_2 {offsets = [1, 0, 0], sizes = [1, 1000, 128], strides = [1, 1, 1]} : vector<2x1000x128xf32> to vector<1x1000x128xf32>
    %squeeze3A_4 = vector.shape_cast %slice3A_3 : vector<1x1000x128xf32> to vector<1000x128xf32>
    %add3A = arith.addf %squeeze3A, %squeeze3A_4 : vector<1000x128xf32>
    %get3A_5 = arith.constant 0 : index
    %get3A_6 = arith.constant 0 : index
    %get3A_7 = vector.load %arg2[%get3A_5, %get3A_6] : memref<1000x32xf32, #tpu.memory_space<vmem>>, vector<1000x32xf32>
    %reduce_sum3A = arith.constant dense<0.000000e+00> : vector<1000xf32>
    %reduce_sum3A_8 = vector.multi_reduction <add>, %get3A_7, %reduce_sum3A [1] : vector<1000x32xf32> to vector<1000xf32>
    %broadcast_in_dim3A = vector.shape_cast %reduce_sum3A_8 : vector<1000xf32> to vector<1000x1xf32>
    %max3A = arith.constant 1.000000e+00 : f32
    %max3A_9 = vector.broadcast %max3A : f32 to vector<1000x1xf32>
    %max3A_10 = arith.maximumf %broadcast_in_dim3A, %max3A_9 : vector<1000x1xf32>
    %div3A = vector.broadcast %max3A_10 : vector<1000x1xf32> to vector<1000x128xf32>
    %div3A_11 = arith.divf %add3A, %div3A : vector<1000x128xf32>
    %get3A_12 = arith.constant 0 : index
    %get3A_13 = arith.constant 0 : index
    %get3A_14 = vector.load %arg4[%get3A_12, %get3A_13] : memref<1x128xf32, #tpu.memory_space<vmem>>, vector<1x128xf32>
    %add3A_15 = vector.broadcast %get3A_14 : vector<1x128xf32> to vector<1000x128xf32>
    %add3A_16 = arith.addf %div3A_11, %add3A_15 : vector<1000x128xf32>
    %get3A_17 = arith.constant 0 : index
    %get3A_18 = arith.constant 0 : index
    %get3A_19 = vector.load %arg3[%get3A_17, %get3A_18] : memref<1000x128xf32, #tpu.memory_space<vmem>>, vector<1000x128xf32>
    %add3A_20 = arith.addf %add3A_16, %get3A_19 : vector<1000x128xf32>
    %max3A_21 = arith.constant 0.000000e+00 : f32
    %max3A_22 = vector.broadcast %max3A_21 : f32 to vector<1000x128xf32>
    %max3A_23 = arith.maximumf %add3A_20, %max3A_22 : vector<1000x128xf32>
    %get3A_24 = arith.constant 0 : index
    %get3A_25 = arith.constant 0 : index
    %get3A_26 = vector.load %arg5[%get3A_24, %get3A_25] : memref<128x128xf32, #tpu.memory_space<vmem>>, vector<128x128xf32>
    %dot_general3A = arith.constant dense<0.000000e+00> : vector<1000x128xf32>
    %dot_general3A_27 = tpu.matmul %max3A_23, %get3A_26, %dot_general3A {dimension_numbers = #tpu.dot_dimension_numbers<[1], [1], [0], [0], [0, 0, 1, 0], [], []>, transpose_lhs_hint = false} : vector<1000x128xf32>, vector<128x128xf32>, vector<1000x128xf32> -> vector<1000x128xf32>
    %swap3A = arith.constant 0 : index
    %swap3A_28 = arith.constant 0 : index
    %swap3A_29 = vector.load %arg7[%swap3A, %swap3A_28] : memref<1000x128xf32, #tpu.memory_space<vmem>>, vector<1000x128xf32>
    tpu.vector_store %arg7[%swap3A, %swap3A_28], %dot_general3A_27 {strides = array<i32>} : memref<1000x128xf32, #tpu.memory_space<vmem>>, vector<1000x128xf32>,
    %get3A_30 = arith.constant 0 : index
    %get3A_31 = arith.constant 0 : index
    %get3A_32 = vector.load %arg6[%get3A_30, %get3A_31] : memref<128x128xf32, #tpu.memory_space<vmem>>, vector<128x128xf32>
    %dot_general3A_33 = arith.constant dense<0.000000e+00> : vector<1000x128xf32>
    %dot_general3A_34 = tpu.matmul %max3A_23, %get3A_32, %dot_general3A_33 {dimension_numbers = #tpu.dot_dimension_numbers<[1], [1], [0], [0], [0, 0, 1, 0], [], []>, transpose_lhs_hint = false} : vector<1000x128xf32>, vector<128x128xf32>, vector<1000x128xf32> -> vector<1000x128xf32>
    %swap3A_35 = arith.constant 0 : index
    %swap3A_36 = arith.constant 0 : index
    %swap3A_37 = vector.load %arg8[%swap3A_35, %swap3A_36] : memref<1000x128xf32, #tpu.memory_space<vmem>>, vector<1000x128xf32>
    tpu.vector_store %arg8[%swap3A_35, %swap3A_36], %dot_general3A_34 {strides = array<i32>} : memref<1000x128xf32, #tpu.memory_space<vmem>>, vector<1000x128xf32>,
    %broadcast_in_dim3A_38 = vector.shape_cast %max3A_10 : vector<1000x1xf32> to vector<1000x1xf32>
    %broadcast_in_dim3A_39 = vector.broadcast %broadcast_in_dim3A_38 : vector<1000x1xf32> to vector<1000x8xf32>
    %swap3A_40 = arith.constant 0 : index
    %swap3A_41 = arith.constant 0 : index
    %swap3A_42 = vector.load %arg9[%swap3A_40, %swap3A_41] : memref<1000x8xf32, #tpu.memory_space<vmem>>, vector<1000x8xf32>
    tpu.vector_store %arg9[%swap3A_40, %swap3A_41], %broadcast_in_dim3A_39 {strides = array<i32>} : memref<1000x8xf32, #tpu.memory_space<vmem>>, vector<1000x8xf32>,
    return
  }
  func.func @transform_0(%arg0: i32) -> (i32, i32, i32) {
    %c0_i32 = arith.constant 0 : i32
    %c0_i32_0 = arith.constant 0 : i32
    %c0_i32_1 = arith.constant 0 : i32
    return %c0_i32, %arg0, %c0_i32_0 : i32, i32, i32
  }
  func.func @transform_1(%arg0: i32) -> (i32, i32) {
    %c0_i32 = arith.constant 0 : i32
    %c0_i32_0 = arith.constant 0 : i32
    return %arg0, %c0_i32 : i32, i32
  }
  func.func @transform_2(%arg0: i32) -> (i32, i32) {
    %c0_i32 = arith.constant 0 : i32
    %c0_i32_0 = arith.constant 0 : i32
    return %arg0, %c0_i32 : i32, i32
  }
  func.func @transform_3(%arg0: i32) -> (i32, i32) {
    %c0_i32 = arith.constant 0 : i32
    %c0_i32_0 = arith.constant 0 : i32
    %c0_i32_1 = arith.constant 0 : i32
    return %c0_i32, %c0_i32_0 : i32, i32
  }
  func.func @transform_4(%arg0: i32) -> (i32, i32) {
    %c0_i32 = arith.constant 0 : i32
    %c0_i32_0 = arith.constant 0 : i32
    %c0_i32_1 = arith.constant 0 : i32
    return %c0_i32, %c0_i32_0 : i32, i32
  }
  func.func @transform_5(%arg0: i32) -> (i32, i32) {
    %c0_i32 = arith.constant 0 : i32
    %c0_i32_0 = arith.constant 0 : i32
    %c0_i32_1 = arith.constant 0 : i32
    return %c0_i32, %c0_i32_0 : i32, i32
  }
  func.func @transform_6(%arg0: i32) -> (i32, i32) {
    %c0_i32 = arith.constant 0 : i32
    %c0_i32_0 = arith.constant 0 : i32
    return %arg0, %c0_i32 : i32, i32
  }
  func.func @transform_7(%arg0: i32) -> (i32, i32) {
    %c0_i32 = arith.constant 0 : i32
    %c0_i32_0 = arith.constant 0 : i32
    return %arg0, %c0_i32 : i32, i32
  }
  func.func @transform_8(%arg0: i32) -> (i32, i32) {
    %c0_i32 = arith.constant 0 : i32
    %c0_i32_0 = arith.constant 0 : i32
    return %arg0, %c0_i32 : i32, i32
  }
}

module attributes {stable_mosaic.version = 14 : i64} {
  func.func @_fin_body(%arg0: i32, %arg1: memref<2x1000x128xf32, #tpu.memory_space<vmem>>, %arg2: memref<1000x8xf32, #tpu.memory_space<vmem>>, %arg3: memref<1000x128xf32, #tpu.memory_space<vmem>>, %arg4: memref<1x128xf32, #tpu.memory_space<vmem>>, %arg5: memref<1000x128xf32, #tpu.memory_space<vmem>>) attributes {dimension_semantics = [#tpu.dimension_semantics<arbitrary>], iteration_bounds = array<i64: 10>, scalar_prefetch = 0 : i64, scratch_operands = 0 : i64, tpu.core_type = #tpu.core_type<tc>, window_params = [{transform_indices = @transform_0, window_bounds = array<i64: 2, 1000, 128>}, {transform_indices = @transform_1, window_bounds = array<i64: 1000, 8>}, {transform_indices = @transform_2, window_bounds = array<i64: 1000, 128>}, {pipeline_mode = #tpu.pipeline_mode<synchronous>, transform_indices = @transform_3, window_bounds = array<i64: 1, 128>}, {transform_indices = @transform_4, window_bounds = array<i64: 1000, 128>}]} {
    %get3A = arith.constant 0 : index
    %get3A_0 = arith.constant 0 : index
    %get3A_1 = arith.constant 0 : index
    %get3A_2 = vector.load %arg1[%get3A, %get3A_0, %get3A_1] : memref<2x1000x128xf32, #tpu.memory_space<vmem>>, vector<2x1000x128xf32>
    %slice3A = vector.extract_strided_slice %get3A_2 {offsets = [0, 0, 0], sizes = [1, 1000, 128], strides = [1, 1, 1]} : vector<2x1000x128xf32> to vector<1x1000x128xf32>
    %squeeze3A = vector.shape_cast %slice3A : vector<1x1000x128xf32> to vector<1000x128xf32>
    %slice3A_3 = vector.extract_strided_slice %get3A_2 {offsets = [1, 0, 0], sizes = [1, 1000, 128], strides = [1, 1, 1]} : vector<2x1000x128xf32> to vector<1x1000x128xf32>
    %squeeze3A_4 = vector.shape_cast %slice3A_3 : vector<1x1000x128xf32> to vector<1000x128xf32>
    %add3A = arith.addf %squeeze3A, %squeeze3A_4 : vector<1000x128xf32>
    %get3A_5 = arith.constant 0 : index
    %get3A_6 = arith.constant 0 : index
    %get3A_7 = vector.load %arg2[%get3A_5, %get3A_6] : memref<1000x8xf32, #tpu.memory_space<vmem>>, vector<1000x1xf32>
    %div3A = vector.broadcast %get3A_7 : vector<1000x1xf32> to vector<1000x128xf32>
    %div3A_8 = arith.divf %add3A, %div3A : vector<1000x128xf32>
    %get3A_9 = arith.constant 0 : index
    %get3A_10 = arith.constant 0 : index
    %get3A_11 = vector.load %arg4[%get3A_9, %get3A_10] : memref<1x128xf32, #tpu.memory_space<vmem>>, vector<1x128xf32>
    %add3A_12 = vector.broadcast %get3A_11 : vector<1x128xf32> to vector<1000x128xf32>
    %add3A_13 = arith.addf %div3A_8, %add3A_12 : vector<1000x128xf32>
    %get3A_14 = arith.constant 0 : index
    %get3A_15 = arith.constant 0 : index
    %get3A_16 = vector.load %arg3[%get3A_14, %get3A_15] : memref<1000x128xf32, #tpu.memory_space<vmem>>, vector<1000x128xf32>
    %add3A_17 = arith.addf %add3A_13, %get3A_16 : vector<1000x128xf32>
    %swap3A = arith.constant 0 : index
    %swap3A_18 = arith.constant 0 : index
    %swap3A_19 = vector.load %arg5[%swap3A, %swap3A_18] : memref<1000x128xf32, #tpu.memory_space<vmem>>, vector<1000x128xf32>
    tpu.vector_store %arg5[%swap3A, %swap3A_18], %add3A_17 {strides = array<i32>} : memref<1000x128xf32, #tpu.memory_space<vmem>>, vector<1000x128xf32>,
    return
  }
  func.func @transform_0(%arg0: i32) -> (i32, i32, i32) {
    %c0_i32 = arith.constant 0 : i32
    %c0_i32_0 = arith.constant 0 : i32
    %c0_i32_1 = arith.constant 0 : i32
    return %c0_i32, %arg0, %c0_i32_0 : i32, i32, i32
  }
  func.func @transform_1(%arg0: i32) -> (i32, i32) {
    %c0_i32 = arith.constant 0 : i32
    %c0_i32_0 = arith.constant 0 : i32
    return %arg0, %c0_i32 : i32, i32
  }
  func.func @transform_2(%arg0: i32) -> (i32, i32) {
    %c0_i32 = arith.constant 0 : i32
    %c0_i32_0 = arith.constant 0 : i32
    return %arg0, %c0_i32 : i32, i32
  }
  func.func @transform_3(%arg0: i32) -> (i32, i32) {
    %c0_i32 = arith.constant 0 : i32
    %c0_i32_0 = arith.constant 0 : i32
    %c0_i32_1 = arith.constant 0 : i32
    return %c0_i32, %c0_i32_0 : i32, i32
  }
  func.func @transform_4(%arg0: i32) -> (i32, i32) {
    %c0_i32 = arith.constant 0 : i32
    %c0_i32_0 = arith.constant 0 : i32
    return %arg0, %c0_i32 : i32, i32
  }
}

</mosaic_0001>

<sc_bundles>
// kernel: kernel.11.cloned.1.call-start
scs
__scs_entry_jumppad:
0x0: {  	(pc) =	sbr.rel $0x88, $3  }
0x1: {  	(tag) =	ssettag $0x0;
	lr =	simm.s32 $0x1  }
0x2: {  	[smem:$0x3F99] =	sst lr;
	_ =	strace $0xD0000000  }
0x3: {  	_ = 	snop  }
0x4: {  	_ = 	snop  }
0x5: {  	_ = 	snop  }
0x6: {  	_ = 	snop  }
0x7: {  	_ = 	snop  }
__scs_overlays_trampoline_lowered:
0x8: {  	[smem:$0x3FA8] =	sst s0  }
0x9: {  	[smem:$0x3FA9] =	sst s1  }
0xa: {  	[smem:$0x3FAA] =	sst s2  }
0xb: {  	[smem:$0x3FAB] =	sst s3  }
0xc: {  	[smem:$0x3FAC] =	sst s4  }
0xd: {  	[smem:$0x3FAD] =	sst s5  }
0xe: {  	[smem:$0x3FAE] =	sst s6  }
0xf: {  	[smem:$0x3FAF] =	sst s7  }
0x10: {  	[smem:$0x3FB0] =	sst s8  }
0x11: {  	[smem:$0x3FB1] =	sst s9;
	s0 =	simm.s32 @!p0 $0x0  }
0x12: {  	s1 =	sld [smem:$0x3F97];
	s0 =	simm.s32 @p0 $0x1  }
0x13: {  	[smem:$0x3FB2] =	sst s0;
	s0 =	simm.s32 @!p1 $0x0  }
0x14: {  	s2 =	sld [smem:$0x3F96];
	s0 =	simm.s32 @p1 $0x1  }
0x15: {  	[smem:$0x3FB3] =	sst s0;
	s0 =	simm.s32 @!p2 $0x0  }
0x16: {  	s3 =	sld [smem:$0x3FDB];
	s0 =	simm.s32 @p2 $0x1  }
0x17: {  	s4 =	simm.s32 $0x1BF5;
	[smem:$0x3FB5] =	sst s0  }
0x18: {  	s0 =	sld [smem:$0x3F98];
	_ =	swait.ge [sflag:s4], $0x0  }
0x19: {  	s7 =	sld [smem:$0x3F99]  }
0x1a: {  	s8 =	sadd.s32 $0xFFFFE003, lr  }
0x1b: {  	s9 =	sadd.s32 $0xFFFFFEF7, lr;
	s5 =	simm.s32 $0xFFFFFFFF;
	p2 =	slt.u32 s8, $0xFFFFF086  }
0x1c: {  	p1 =	slt.u32 s9, $0xF7A;
	s5 =	simm.s32 @!p2 $0x0  }
0x1d: {  	s5 =	simm.s32 @p1 $0x1;
	p0 =	seq.s32 s7, s2  }
0x1e: {  	s7 =	smul.u32 @!p0 $0xF7A, s2;
	p2 =	seq.s32 @!p0 s5, $0x0  }
0x1f: {  	s9 =	smul.u32 $0xF7A, s1;
	s8 =	simm.s32 @!p0 $0x1BF5;
	p2 =	por !p2, p0  }
0x20: {  	[sflag:s8] =	ssyncset.s32 @!p0 $0xFFFFF086;
	s6 =	sadd.s32 @!p0 s3, s7;
	s7 =	simm.s32 @!p0 $0x108  }
0x21: {  	s3 =	sadd.s32 s3, s9;
	s6 =	sadd.s32 @!p0 $0x88, s6;
	s7 =	simm.s32 @p2 $0x1082  }
0x22: {  	[simem:s7], [sflag:s8] =	dma.local @!p0 [hbm:s6], $0xF7A  }
0x23: {  	s9 =	sor.u32 $0xD0000000, s2;
	s6 =	simm.s32 $0x108;
	_ =	swait.ge @!p0 [sflag:s8], $0x0  }
0x24: {  	s3 =	sadd.s32 $0x88, s3;
	s6 =	simm.s32 @!p1 $0x1082;
	[sflag:s4] =	ssyncset.s32 $0xFFFFF086  }
0x25: {  	[simem:s6], [sflag:s4] =	dma.local [hbm:s3], $0xF7A  }
0x26: {  	[smem:$0x3F99] =	sst s1;
	(tag) =	ssettag s2;
	_ =	strace s9  }
0x27: {  	s1 =	sld [smem:$0x3FA9]  }
0x28: {  	s2 =	sld [smem:$0x3FAA]  }
0x29: {  	s4 =	sld [smem:$0x3FAC]  }
0x2a: {  	p0 =	seq.s32 s5, $0x0;
	s5 =	sld [smem:$0x3FAD]  }
0x2b: {  	s6 =	sld [smem:$0x3FAE]  }
0x2c: {  	s7 =	sld [smem:$0x3FAF]  }
0x2d: {  	s3 =	simm.s32 $0x108;
	s8 =	sld [smem:$0x3FB0]  }
0x2e: {  	s3 =	simm.s32 @!p0 $0x1082;
	s9 =	sld [smem:$0x3FB1]  }
0x2f: {  	lr =	sadd.s32 s0, s3;
	s0 =	sld [smem:$0x3FA8]  }
0x30: {  	s3 =	sld [smem:$0x3FAB]  }
0x31: {  	[smem:$0x3FB4] =	sst s10  }
0x32: {  	s10 =	sld [smem:$0x3FB2];
	_ =	sdelay $0x3  }
0x33: {  	p0 =	seq.s32 s10, $0x1;
	s10 =	sld [smem:$0x3FB4];
	_ =	sdelay $0x3  }
0x34: {  	[smem:$0x3FB4] =	sst s10  }
0x35: {  	s10 =	sld [smem:$0x3FB3];
	_ =	sdelay $0x3  }
0x36: {  	p1 =	seq.s32 s10, $0x1;
	s10 =	sld [smem:$0x3FB4];
	_ =	sdelay $0x3  }
0x37: {  	[smem:$0x3FB4] =	sst s10  }
0x38: {  	s10 =	sld [smem:$0x3FB5]  }
0x39: {  	_ = 	snop;
	(pc) =	sbr.ind lr, $3  }
0x3a: {  	_ = 	snop  }
0x3b: {  	_ = 	snop  }
0x3c: {  	p2 =	seq.s32 s10, $0x1;
	s10 =	sld [smem:$0x3FB4]  }
0x3d: {  	_ =	shalt  }
0x3e: {  	_ =	shalt  }
0x3f: {  	_ =	shalt  }
0x40: {  	_ =	shalt  }
0x41: {  	_ =	shalt  }
0x42: {  	_ =	shalt  }
0x43: {  	_ =	shalt  }
0x44: {  	_ =	shalt  }
0x45: {  	_ =	shalt  }
0x46: {  	_ =	shalt  }
0x47: {  	_ =	shalt  }
0x48: {  	_ =	shalt  }
0x49: {  	_ =	shalt  }
0x4a: {  	_ =	shalt  }
0x4b: {  	_ =	shalt  }
0x4c: {  	_ =	shalt  }
0x4d: {  	_ =	shalt  }
0x4e: {  	_ =	shalt  }
0x4f: {  	_ =	shalt  }
0x50: {  	_ =	shalt  }
0x51: {  	_ =	shalt  }
0x52: {  	_ =	shalt  }
0x53: {  	_ =	shalt  }
0x54: {  	_ =	shalt  }
0x55: {  	_ =	shalt  }
0x56: {  	_ =	shalt  }
0x57: {  	_ =	shalt  }
0x58: {  	_ =	shalt  }
0x59: {  	_ =	shalt  }
0x5a: {  	_ =	shalt  }
0x5b: {  	_ =	shalt  }
0x5c: {  	_ =	shalt  }
0x5d: {  	_ =	shalt  }
0x5e: {  	_ =	shalt  }
0x5f: {  	_ =	shalt  }
0x60: {  	_ =	shalt  }
0x61: {  	_ =	shalt  }
0x62: {  	_ =	shalt  }
0x63: {  	_ =	shalt  }
0x64: {  	_ =	shalt  }
0x65: {  	_ =	shalt  }
0x66: {  	_ =	shalt  }
0x67: {  	_ =	shalt  }
0x68: {  	_ =	shalt  }
0x69: {  	_ =	shalt  }
0x6a: {  	_ =	shalt  }
0x6b: {  	_ =	shalt  }
0x6c: {  	_ =	shalt  }
0x6d: {  	_ =	shalt  }
0x6e: {  	_ =	shalt  }
0x6f: {  	_ =	shalt  }
0x70: {  	_ =	shalt  }
0x71: {  	_ =	shalt  }
0x72: {  	_ =	shalt  }
0x73: {  	_ =	shalt  }
0x74: {  	_ =	shalt  }
0x75: {  	_ =	shalt  }
0x76: {  	_ =	shalt  }
0x77: {  	_ =	shalt  }
0x78: {  	_ =	shalt  }
0x79: {  	_ =	shalt  }
0x7a: {  	_ =	shalt  }
0x7b: {  	_ =	shalt  }
0x7c: {  	_ =	shalt  }
0x7d: {  	_ =	shalt  }
0x7e: {  	_ =	shalt  }
0x7f: {  	_ =	shalt  }
0x80: {  	_ =	shalt  }
0x81: {  	_ =	shalt  }
0x82: {  	_ =	shalt  }
0x83: {  	_ =	shalt  }
0x84: {  	_ =	shalt  }
0x85: {  	_ =	shalt  }
0x86: {  	_ =	shalt  }
0x87: {  	_ =	shalt  }
.Lfunc_end0:
.L_simem_size_0:
called_computation.1_lowered:
.L_overlay_start_0:
0x88: {  	s2 =	sld [smem:$0x3FD9]  }
0x89: {  	s3 =	sld [smem:$0x3FFE];
	_ =	sdelay $0x1  }
0x8a: {  	s1 =	srdreg.scid  }
0x8b: {  	s0 =	sand.u32 $0x1, s1  }
0x8c: {  	s16 =	sshll.u32 s0, $0xA;
	s2 =	sadd.s32 s3, s2  }
0x8d: {  	s2 =	sadd.s32 s2, s16  }
0x8e: {  	[smem:$0x3FC0] =	sst s2  }
0x8f: {  	_ = 	snop  }
0x90: {  	(tm) =	ssettm $0x1  }
0x91: {  	s17 =	sld [smem:$0x3FFB];
	_ =	sdelay $0x3  }
0x92: {  	_ =	strace s17  }
0x93: {  	s2 =	sld [smem:$0x3FFC];
	_ =	sdelay $0x3  }
0x94: {  	_ =	strace s2  }
0x95: {  	s2 =	sld [smem:$0x3FFD];
	_ =	sdelay $0x3  }
0x96: {  	_ =	strace s2  }
0x97: {  	_ =	strace $0x8FFFFFFF  }
0x98: {  	s18 =	sld [smem:$0x3FDB];
	_ =	sdelay $0x1  }
0x99: {  	s19 =	simm.s32 $_scs_section_size  }
0x9a: {  	s4 =	simm.s32 $_size__tile_overlayer_lowered;
	s5 =	simm.s32 $_tile_overlayer_lowered  }
0x9b: {  	s22 =	simm.s32 $0x1BFF;
	s21 =	sshll.u32 s5, $0x1;
	s2 =	sadd.s32 s19, s18  }
0x9c: {  	s6 =	simm.s32 $0x0;
	s20 =	sshll.u32 s4, $0x1;
	s4 =	sadd.s32 s21, s2  }
0x9d: {  	[timem:s6], [sflag:s22] =	dma.local [hbm:s4], s20  }
0x9e: {  	_ =	swait.ge [sflag:s22], s20  }
0x9f: {  	s3 =	ssub.s32 $0x0, s20;
	[sflag:s22] =	ssyncset.done $0x0  }
0xa0: {  	[sflag:s22] =	ssyncadd.s32 s3;
	_ =	sdelay $0x1  }
0xa1: {  	s23 =	simm.s32 $0x1B8B  }
0xa2: {  	_ =	swait.ge [sflag:s23], $0x1  }
0xa3: {  	[sflag:s23] =	ssyncset.done $0x0  }
0xa4: {  	s25 =	simm.s32 $0x1B8E;
	s24 =	sld [smem:$0x3FFE];
	[sflag:s23] =	ssyncadd.s32 $0xFFFFFFFF  }
0xa5: {  	s26 =	simm.s32 $execute0_lowered;
	[smem:$0x3FD2] =	sst s25  }
0xa6: {  	s4 =	sshll.u32 s26, $0x1;
	_ =	strace $0x80000046;
	[dreg:$0x1] =	wrdreg $0xFFFFFFFF  }
0xa7: {  	s28 =	simm.s32 $_size_execute0_lowered;
	s2 =	sadd.s32 s2, s4;
	[dreg:$0x0] =	wrdreg $0x0  }
0xa8: {  	s4 =	sshll.u32 s28, $0x1;
	[dreg:$0x2] =	wrdreg s2  }
0xa9: {  	[dreg:$0x3] =	wrdreg s4  }
0xaa: {  	[dreg:$0x4] =	wrdreg $0xC0  }
0xab: {  	_ =	task [dreg:s6], $0x5FFFF  }
0xac: {  	[dreg:$0x1] =	wrdreg $0xFFFFFFFF  }
0xad: {  	[dreg:$0x0] =	wrdreg $0x60  }
0xae: {  	[dreg:$0x2] =	wrdreg s24  }
0xaf: {  	[dreg:$0x3] =	wrdreg $0xA  }
0xb0: {  	_ =	task.clear_ibuf [dreg:s6], $0x4FFFF;
	_ =	strace $0x90000046  }
0xb1: {  	s29 =	simm.s32 $0xA;
	_ =	strace $0x80000048  }
0xb2: {  	_ =	swait.ge [sflag:s29], $0x1  }
0xb3: {  	[sflag:s29] =	ssyncadd.s32 $0xFFFFFFFF  }
0xb4: {  	_ =	strace $0x90000048  }
0xb5: {  	_ =	sfence  }
0xb6: {  	s30 =	sld [smem:$0x0];
	_ =	sdelay $0x2  }
0xb7: {  	s31 =	sshll.u32 s1, $0xD;
	s1 =	sshrl.u32 s1, $0x2  }
0xb8: {  	s3 =	sand.u32 $0x4000, s31;
	s1 =	sadd.s32 s1, s30  }
0xb9: {  	s0 =	sor.u32 s3, s0;
	s1 =	sshll.u32 s1, $0x11  }
0xba: {  	s0 =	sor.u32 s1, s0  }
0xbb: {  	s0 =	sadd.s32 $0x8F2B, s0  }
0xbc: {  	[sflag:s0] =	ssyncadd.remote.s32 $0x1  }
0xbd: {  	_ =	sfence.sel $0xFFFF  }
0xbe: {  	[dreg:$0x0] =	wrdreg $0xFFFFFFFF;
	(pc) =	sbr.abs _section_cstart, $3  }
0xbf: {  	[dreg:$0x1] =	wrdreg $0xFFFFFFFF  }
0xc0: {  	_ =	task.clear_ibuf [dreg:s6], $0x2FFFF;
	_ =	strace $0x9FFFFFFF  }
0xc1: {  	(tm) =	ssettm $0x7FFFFFFF  }
tec
execute0_lowered:
.L_overlay_start_1:
0x0: {  	(tag) =	ssettag $0x1  }
0x1: {  	s0 =	srdreg.scid  }
0x2: {  	s4 =	rddreg [dreg:$0x0];
	s3 =	sand.u32 $0x1, s0  }
0x3: {  	s1 =	stileid.u32;
	s7 =	simm.s32 $0x2780;
	s2 =	sshll.u32 s3, $0x4  }
0x4: {  	s0 =	rddreg [dreg:$0x1];
	s3 =	ssub.s32 $0x2, s3;
	s5 =	sor.u32 s1, s2  }
0x5: {  	s2 =	simm.s32 $0x0;
	s6 =	sshrl.u32 s3, $0x1;
	s5 =	smul.u32 $0x4F0, s5  }
0x6: {  	s8 =	simm.s32 $0x0;
	[smem:$0x7FF] =	sst s2;
	s31 =	ssub.s32 s3, s6  }
0x7: {  	s6 =	simm.s32 $0x1;
	_ =	strace $0x80000047;
	s4 =	sadd.s32 s5, s4  }
0x8: {  	v0 =	vimm.f32 $0.0e+00;
	s5 =	smax.u32 s31, $0x1;
	s3 =	sadd.s32 $0x2200, s4;
	s4 =	sadd.s32 $0xC000, s4  }
.LBB2_1:
0x9: {  	[tilespmem:s2], [sflag:$0x1] =	stream.linear.gather [hbm4b:s3+s2], $0x2780, $0x38;
	[tilespmem:$0x4F00] =	vst v63  }
0xa: {  	_ =	swait.ge [sflag:s6], $0x2780  }
0xb: {  	[sflag:s6] =	ssyncset.done $0x0  }
0xc: {  	s9 =	simm.s32 $0x0;
	[sflag:s6] =	ssyncadd.s32 $0xFFFFD880  }
.LBB2_2:
0xd: {  	p0 =	sne.s32 s9, $0x9DC0  }
.Ltmp0:
0xe: {  	_ = 	snop;
	(pc) =	sbr.rel @p0 .LBB2_2-.Ltmp0, $3  }
0xf: {  	_ =	sdelay $0x1  }
0x10: {  	s10 =	sshra.s32 s9, $0x2  }
0x11: {  	s9 =	sadd.s32 $0x40, s9;
	[tilespmem:s10+$0x2780] =	vst v0  }
0x12: {  	s10 =	simm.s32 $0x0;
	s9 =	simm.s32 $0x40  }
.LBB2_4:
0x13: {  	p0 =	sne.s32 s9, $0x9DC0;
	v1 =	vld [tilespmem:s10+$0x0];
	_ =	sdelay $0x4  }
0x14: {  	(xrf1) =	vunique.msk.u32 $0xffff, v1;
	_ =	sdelay $0xd  }
0x15: {  	_, v2, vm0 =	vpop (xrf1);
	_ =	sdelay $0x1  }
.Ltmp1:
0x16: {  	(pc) =	sbr.rel @p0 .LBB2_4-.Ltmp1, $3  }
0x17: {  	_ = 	snop  }
0x18: {  	v2 =	vcvt.s32.f32 v2;
	_ =	sdelay $0x1  }
0x19: {  	s10 =	sshra.s32 s9, $0x2;
	s9 =	sadd.s32 $0x40, s9;
	[tilespmem:v1+s7+$0x0] =	vst.idx.add.f32.msk vm0, v2  }
0x1a: {  	v1 =	vld [tilespmem:s10+$0x0];
	_ =	sdelay $0x4  }
0x1b: {  	(xrf1) =	vunique.msk.u32 $0xffff, v1;
	_ =	sdelay $0xd  }
0x1c: {  	_, v2, vm0 =	vpop (xrf1);
	_ =	sdelay $0x3  }
0x1d: {  	s8 =	sadd.s32 $0x1, s8;
	v2 =	vcvt.s32.f32 v2  }
0x1e: {  	p0 =	sne.s32 s8, s5  }
.Ltmp2:
0x1f: {  	[tilespmem:v1+s7+$0x0] =	vst.idx.add.f32.msk vm0, v2;
	(pc) =	sbr.rel @p0 .LBB2_1-.Ltmp2, $4  }
0x20: {  	[hbm4b:s4+s2] =	stream.linear.scatter [tilespmem:s7], [sflag:$0x1], $0x2780, $0x38;
	[tilespmem:$0x4F00] =	vst v63  }
0x21: {  	_ =	swait.ge [sflag:s6], $0x2780  }
0x22: {  	[sflag:s6] =	ssyncset.done $0x0  }
0x23: {  	[sflag:s6] =	ssyncadd.s32 $0xFFFFD880  }
0x24: {  	_ =	sfence.sel $0x180000  }
0x25: {  	[bflag:$0x0] =	sbarrier.arrive $0xFFFF  }
0x26: {  	p0 =	sne.s32 s1, $0x0;
	_ =	strace $0x90000047  }
0x27: {  	s0 =	sadd.s32 @!p0 $0x100000, s0;
	[bflag:$0x2] =	sbarrier.arrive $0xFFFF  }
0x28: {  	[sflag:s0] =	ssyncadd.tile.s32 @!p0 $0x1;
	_ =	shalt  }
.Lfunc_end2:
_tile_overlayer_lowered:
.L_overlay_start_2:
0x29: {  	(tag) =	ssettag $0x2  }
0x2a: {  	s0 =	rddreg [dreg:$0x0];
	s2 =	stileid.u32  }
0x2b: {  	s1 =	rddreg [dreg:$0x1];
	p0 =	sne.s32 s2, $0x0  }
0x2c: {  	s3 =	rddreg [dreg:$0x2];
	[bflag:$0x3] =	sbarrier.arrive $0xFFFF;
	s2 =	simm.s32 @!p0 $0x1C01  }
0x2d: {  	[timem:s3], [sflag:s2] =	dma.local @!p0 [hbm:s0], s1  }
0x2e: {  	s0 =	simm.s32 @!p0 $0x1  }
0x2f: {  	_ =	swait.ge @!p0 [sflag:s0], s1  }
0x30: {  	s1 =	ssub.s32 @!p0 $0x0, s1;
	[sflag:s0] =	ssyncset.done @!p0 $0x0  }
0x31: {  	[sflag:s0] =	ssyncadd.s32 @!p0 s1  }
0x32: {  	[bflag:$0x3] =	sbarrier.arrive $0xFFFF  }
0x33: {  	_ =	shalt  }

// kernel: kernel.14.cloned.1.call-start
scs
__scs_entry_jumppad:
0x0: {  	(pc) =	sbr.rel $0x88, $3  }
0x1: {  	(tag) =	ssettag $0x0;
	lr =	simm.s32 $0x1  }
0x2: {  	[smem:$0x3F99] =	sst lr;
	_ =	strace $0xD0000000  }
0x3: {  	_ = 	snop  }
0x4: {  	_ = 	snop  }
0x5: {  	_ = 	snop  }
0x6: {  	_ = 	snop  }
0x7: {  	_ = 	snop  }
__scs_overlays_trampoline_lowered:
0x8: {  	[smem:$0x3FA8] =	sst s0  }
0x9: {  	[smem:$0x3FA9] =	sst s1  }
0xa: {  	[smem:$0x3FAA] =	sst s2  }
0xb: {  	[smem:$0x3FAB] =	sst s3  }
0xc: {  	[smem:$0x3FAC] =	sst s4  }
0xd: {  	[smem:$0x3FAD] =	sst s5  }
0xe: {  	[smem:$0x3FAE] =	sst s6  }
0xf: {  	[smem:$0x3FAF] =	sst s7  }
0x10: {  	[smem:$0x3FB0] =	sst s8  }
0x11: {  	[smem:$0x3FB1] =	sst s9;
	s0 =	simm.s32 @!p0 $0x0  }
0x12: {  	s1 =	sld [smem:$0x3F97];
	s0 =	simm.s32 @p0 $0x1  }
0x13: {  	[smem:$0x3FB2] =	sst s0;
	s0 =	simm.s32 @!p1 $0x0  }
0x14: {  	s2 =	sld [smem:$0x3F96];
	s0 =	simm.s32 @p1 $0x1  }
0x15: {  	[smem:$0x3FB3] =	sst s0;
	s0 =	simm.s32 @!p2 $0x0  }
0x16: {  	s3 =	sld [smem:$0x3FDB];
	s0 =	simm.s32 @p2 $0x1  }
0x17: {  	s4 =	simm.s32 $0x1BF5;
	[smem:$0x3FB5] =	sst s0  }
0x18: {  	s0 =	sld [smem:$0x3F98];
	_ =	swait.ge [sflag:s4], $0x0  }
0x19: {  	s7 =	sld [smem:$0x3F99]  }
0x1a: {  	s8 =	sadd.s32 $0xFFFFE003, lr  }
0x1b: {  	s9 =	sadd.s32 $0xFFFFFEF7, lr;
	s5 =	simm.s32 $0xFFFFFFFF;
	p2 =	slt.u32 s8, $0xFFFFF086  }
0x1c: {  	p1 =	slt.u32 s9, $0xF7A;
	s5 =	simm.s32 @!p2 $0x0  }
0x1d: {  	s5 =	simm.s32 @p1 $0x1;
	p0 =	seq.s32 s7, s2  }
0x1e: {  	s7 =	smul.u32 @!p0 $0xF7A, s2;
	p2 =	seq.s32 @!p0 s5, $0x0  }
0x1f: {  	s9 =	smul.u32 $0xF7A, s1;
	s8 =	simm.s32 @!p0 $0x1BF5;
	p2 =	por !p2, p0  }
0x20: {  	[sflag:s8] =	ssyncset.s32 @!p0 $0xFFFFF086;
	s6 =	sadd.s32 @!p0 s3, s7;
	s7 =	simm.s32 @!p0 $0x108  }
0x21: {  	s3 =	sadd.s32 s3, s9;
	s6 =	sadd.s32 @!p0 $0x88, s6;
	s7 =	simm.s32 @p2 $0x1082  }
0x22: {  	[simem:s7], [sflag:s8] =	dma.local @!p0 [hbm:s6], $0xF7A  }
0x23: {  	s9 =	sor.u32 $0xD0000000, s2;
	s6 =	simm.s32 $0x108;
	_ =	swait.ge @!p0 [sflag:s8], $0x0  }
0x24: {  	s3 =	sadd.s32 $0x88, s3;
	s6 =	simm.s32 @!p1 $0x1082;
	[sflag:s4] =	ssyncset.s32 $0xFFFFF086  }
0x25: {  	[simem:s6], [sflag:s4] =	dma.local [hbm:s3], $0xF7A  }
0x26: {  	[smem:$0x3F99] =	sst s1;
	(tag) =	ssettag s2;
	_ =	strace s9  }
0x27: {  	s1 =	sld [smem:$0x3FA9]  }
0x28: {  	s2 =	sld [smem:$0x3FAA]  }
0x29: {  	s4 =	sld [smem:$0x3FAC]  }
0x2a: {  	p0 =	seq.s32 s5, $0x0;
	s5 =	sld [smem:$0x3FAD]  }
0x2b: {  	s6 =	sld [smem:$0x3FAE]  }
0x2c: {  	s7 =	sld [smem:$0x3FAF]  }
0x2d: {  	s3 =	simm.s32 $0x108;
	s8 =	sld [smem:$0x3FB0]  }
0x2e: {  	s3 =	simm.s32 @!p0 $0x1082;
	s9 =	sld [smem:$0x3FB1]  }
0x2f: {  	lr =	sadd.s32 s0, s3;
	s0 =	sld [smem:$0x3FA8]  }
0x30: {  	s3 =	sld [smem:$0x3FAB]  }
0x31: {  	[smem:$0x3FB4] =	sst s10  }
0x32: {  	s10 =	sld [smem:$0x3FB2];
	_ =	sdelay $0x3  }
0x33: {  	p0 =	seq.s32 s10, $0x1;
	s10 =	sld [smem:$0x3FB4];
	_ =	sdelay $0x3  }
0x34: {  	[smem:$0x3FB4] =	sst s10  }
0x35: {  	s10 =	sld [smem:$0x3FB3];
	_ =	sdelay $0x3  }
0x36: {  	p1 =	seq.s32 s10, $0x1;
	s10 =	sld [smem:$0x3FB4];
	_ =	sdelay $0x3  }
0x37: {  	[smem:$0x3FB4] =	sst s10  }
0x38: {  	s10 =	sld [smem:$0x3FB5]  }
0x39: {  	_ = 	snop;
	(pc) =	sbr.ind lr, $3  }
0x3a: {  	_ = 	snop  }
0x3b: {  	_ = 	snop  }
0x3c: {  	p2 =	seq.s32 s10, $0x1;
	s10 =	sld [smem:$0x3FB4]  }
0x3d: {  	_ =	shalt  }
0x3e: {  	_ =	shalt  }
0x3f: {  	_ =	shalt  }
0x40: {  	_ =	shalt  }
0x41: {  	_ =	shalt  }
0x42: {  	_ =	shalt  }
0x43: {  	_ =	shalt  }
0x44: {  	_ =	shalt  }
0x45: {  	_ =	shalt  }
0x46: {  	_ =	shalt  }
0x47: {  	_ =	shalt  }
0x48: {  	_ =	shalt  }
0x49: {  	_ =	shalt  }
0x4a: {  	_ =	shalt  }
0x4b: {  	_ =	shalt  }
0x4c: {  	_ =	shalt  }
0x4d: {  	_ =	shalt  }
0x4e: {  	_ =	shalt  }
0x4f: {  	_ =	shalt  }
0x50: {  	_ =	shalt  }
0x51: {  	_ =	shalt  }
0x52: {  	_ =	shalt  }
0x53: {  	_ =	shalt  }
0x54: {  	_ =	shalt  }
0x55: {  	_ =	shalt  }
0x56: {  	_ =	shalt  }
0x57: {  	_ =	shalt  }
0x58: {  	_ =	shalt  }
0x59: {  	_ =	shalt  }
0x5a: {  	_ =	shalt  }
0x5b: {  	_ =	shalt  }
0x5c: {  	_ =	shalt  }
0x5d: {  	_ =	shalt  }
0x5e: {  	_ =	shalt  }
0x5f: {  	_ =	shalt  }
0x60: {  	_ =	shalt  }
0x61: {  	_ =	shalt  }
0x62: {  	_ =	shalt  }
0x63: {  	_ =	shalt  }
0x64: {  	_ =	shalt  }
0x65: {  	_ =	shalt  }
0x66: {  	_ =	shalt  }
0x67: {  	_ =	shalt  }
0x68: {  	_ =	shalt  }
0x69: {  	_ =	shalt  }
0x6a: {  	_ =	shalt  }
0x6b: {  	_ =	shalt  }
0x6c: {  	_ =	shalt  }
0x6d: {  	_ =	shalt  }
0x6e: {  	_ =	shalt  }
0x6f: {  	_ =	shalt  }
0x70: {  	_ =	shalt  }
0x71: {  	_ =	shalt  }
0x72: {  	_ =	shalt  }
0x73: {  	_ =	shalt  }
0x74: {  	_ =	shalt  }
0x75: {  	_ =	shalt  }
0x76: {  	_ =	shalt  }
0x77: {  	_ =	shalt  }
0x78: {  	_ =	shalt  }
0x79: {  	_ =	shalt  }
0x7a: {  	_ =	shalt  }
0x7b: {  	_ =	shalt  }
0x7c: {  	_ =	shalt  }
0x7d: {  	_ =	shalt  }
0x7e: {  	_ =	shalt  }
0x7f: {  	_ =	shalt  }
0x80: {  	_ =	shalt  }
0x81: {  	_ =	shalt  }
0x82: {  	_ =	shalt  }
0x83: {  	_ =	shalt  }
0x84: {  	_ =	shalt  }
0x85: {  	_ =	shalt  }
0x86: {  	_ =	shalt  }
0x87: {  	_ =	shalt  }
.Lfunc_end0:
.L_simem_size_0:
called_computation.2_lowered:
.L_overlay_start_0:
0x88: {  	s2 =	sld [smem:$0x3FD9]  }
0x89: {  	s3 =	sld [smem:$0x3FFE];
	_ =	sdelay $0x1  }
0x8a: {  	s1 =	srdreg.scid  }
0x8b: {  	s0 =	sand.u32 $0x1, s1  }
0x8c: {  	s17 =	sshll.u32 s0, $0xA;
	s2 =	sadd.s32 s3, s2  }
0x8d: {  	s2 =	sadd.s32 s2, s17  }
0x8e: {  	[smem:$0x3FC0] =	sst s2  }
0x8f: {  	_ = 	snop  }
0x90: {  	s2 =	sld [smem:$0x3FD0];
	(tm) =	ssettm $0x1  }
0x91: {  	s18 =	sld [smem:$0x3FFB];
	_ =	sdelay $0x3  }
0x92: {  	_ =	strace s18  }
0x93: {  	s3 =	sld [smem:$0x3FFC];
	_ =	sdelay $0x3  }
0x94: {  	_ =	strace s3  }
0x95: {  	s3 =	sld [smem:$0x3FFD];
	_ =	sdelay $0x3  }
0x96: {  	_ =	strace s3  }
0x97: {  	_ =	strace $0x8FFFFFFF  }
0x98: {  	s19 =	sld [smem:$0x3FDB];
	_ =	sdelay $0x1  }
0x99: {  	s4 =	simm.s32 $_scs_section_size  }
0x9a: {  	s5 =	simm.s32 $_size__tile_overlayer_lowered;
	s6 =	simm.s32 $_tile_overlayer_lowered  }
0x9b: {  	s22 =	simm.s32 $0x1BFF;
	s21 =	sshll.u32 s6, $0x1;
	s3 =	sadd.s32 s4, s19  }
0x9c: {  	s7 =	simm.s32 $0x0;
	s20 =	sshll.u32 s5, $0x1;
	s5 =	sadd.s32 s21, s3  }
0x9d: {  	[timem:s7], [sflag:s22] =	dma.local [hbm:s5], s20  }
0x9e: {  	_ =	swait.ge [sflag:s22], s20  }
0x9f: {  	s4 =	ssub.s32 $0x0, s20;
	[sflag:s22] =	ssyncset.done $0x0  }
0xa0: {  	[sflag:s22] =	ssyncadd.s32 s4;
	_ =	sdelay $0x1  }
0xa1: {  	s23 =	simm.s32 $0x1B8B  }
0xa2: {  	_ =	swait.ge [sflag:s23], $0x1  }
0xa3: {  	[sflag:s23] =	ssyncset.done $0x0  }
0xa4: {  	s25 =	simm.s32 $0x1B8E;
	s24 =	sld [smem:$0x3FFE];
	[sflag:s23] =	ssyncadd.s32 $0xFFFFFFFF  }
0xa5: {  	s26 =	simm.s32 $execute0_lowered;
	[smem:$0x3FD2] =	sst s25  }
0xa6: {  	s5 =	sshll.u32 s26, $0x1;
	_ =	strace $0x8000004C;
	[dreg:$0x1] =	wrdreg $0xFFFFFFFF  }
0xa7: {  	s28 =	simm.s32 $_size_execute0_lowered;
	s3 =	sadd.s32 s3, s5;
	[dreg:$0x0] =	wrdreg $0x0  }
0xa8: {  	s5 =	sshll.u32 s28, $0x1;
	[dreg:$0x2] =	wrdreg s3  }
0xa9: {  	[dreg:$0x3] =	wrdreg s5  }
0xaa: {  	[dreg:$0x4] =	wrdreg $0xC0  }
0xab: {  	_ =	task [dreg:s7], $0x5FFFF  }
0xac: {  	[dreg:$0x1] =	wrdreg $0xFFFFFFFF  }
0xad: {  	[dreg:$0x0] =	wrdreg $0x60  }
0xae: {  	[dreg:$0x2] =	wrdreg s2  }
0xaf: {  	[dreg:$0x3] =	wrdreg s24  }
0xb0: {  	[dreg:$0x4] =	wrdreg $0x41000  }
0xb1: {  	[dreg:$0x5] =	wrdreg $0x9  }
0xb2: {  	_ =	task.clear_ibuf [dreg:s7], $0x6FFFF;
	_ =	strace $0x9000004C  }
0xb3: {  	s29 =	simm.s32 $0x9;
	_ =	strace $0x8000004E  }
0xb4: {  	_ =	swait.ge [sflag:s29], $0x1  }
0xb5: {  	[sflag:s29] =	ssyncadd.s32 $0xFFFFFFFF  }
0xb6: {  	_ =	strace $0x9000004E  }
0xb7: {  	_ =	sfence  }
0xb8: {  	s30 =	sld [smem:$0x0];
	_ =	sdelay $0x2  }
0xb9: {  	s31 =	sshll.u32 s1, $0xD;
	s1 =	sshrl.u32 s1, $0x2  }
0xba: {  	s3 =	sand.u32 $0x4000, s31;
	s1 =	sadd.s32 s1, s30  }
0xbb: {  	s0 =	sor.u32 s3, s0;
	s1 =	sshll.u32 s1, $0x11  }
0xbc: {  	s0 =	sor.u32 s1, s0  }
0xbd: {  	s0 =	sadd.s32 $0x8F2B, s0  }
0xbe: {  	[sflag:s0] =	ssyncadd.remote.s32 $0x1  }
0xbf: {  	_ =	sfence.sel $0xFFFF  }
0xc0: {  	[dreg:$0x0] =	wrdreg $0xFFFFFFFF;
	(pc) =	sbr.abs _section_cstart, $3  }
0xc1: {  	[dreg:$0x1] =	wrdreg $0xFFFFFFFF  }
0xc2: {  	_ =	task.clear_ibuf [dreg:s7], $0x2FFFF;
	_ =	strace $0x9FFFFFFF  }
0xc3: {  	(tm) =	ssettm $0x7FFFFFFF  }
tec
execute0_lowered:
.L_overlay_start_1:
0x0: {  	(tag) =	ssettag $0x1  }
0x1: {  	s0 =	rddreg [dreg:$0x0]  }
0x2: {  	s5 =	rddreg [dreg:$0x1]  }
0x3: {  	s1 =	srdreg.scid;
	s2 =	stileid.u32  }
0x4: {  	s3 =	rddreg [dreg:$0x2];
	s4 =	simm.s32 $0x0;
	s8 =	smul.u32 $0x4F000, s2  }
0x5: {  	s6 =	sand.u32 $0x1, s1;
	s1 =	rddreg [dreg:$0x3];
	s15 =	smul.u32 $0x13C00, s2  }
0x6: {  	[smem:$0x7FF] =	sst s4;
	s22 =	smul.u32 $0x4F0, s2  }
0x7: {  	s18 =	sadd.s32 $0x1FC00, s5;
	s7 =	smul.u32 $0x4F00, s6;
	_ =	strace $0x8000004D  }
0x8: {  	s16 =	smul.u32 $0x13C000, s6;
	s23 =	ssub.s32 $0x2, s6;
	s24 =	sadd.s32 $0x10000, s15  }
0x9: {  	s25 =	sshrl.u32 s23, $0x1;
	s8 =	sshrl.u32 s8, $0x2;
	s13 =	sadd.s32 $0x4000, s15  }
0xa: {  	s19 =	sadd.s32 $0x8000, s15;
	s21 =	sadd.s32 $0xC000, s15;
	s17 =	sadd.s32 s7, s5  }
0xb: {  	s9 =	sadd.s32 s16, s24;
	s10 =	ssub.s32 s23, s25;
	s5 =	sadd.s32 s8, s3  }
0xc: {  	s6 =	sadd.s32 s24, s3;
	s11 =	sadd.s32 s16, s15;
	s14 =	sadd.s32 s16, s13  }
0xd: {  	s13 =	sadd.s32 s13, s3;
	s20 =	sadd.s32 s16, s19;
	s15 =	sadd.s32 s19, s3  }
0xe: {  	s29 =	sadd.s32 s16, s21;
	s23 =	simm.s32 $0x80;
	s24 =	simm.s32 $0x1  }
0xf: {  	s25 =	simm.s32 $0x0;
	s26 =	sshrl.u32 s9, $0x3;
	s8 =	smax.u32 s10, $0x1  }
0x10: {  	s9 =	sadd.s32 $0x4000, s5;
	s10 =	sadd.s32 $0x8000, s5;
	s12 =	sshrl.u32 s11, $0x3  }
0x11: {  	s11 =	sadd.s32 $0xC000, s5;
	s14 =	sshrl.u32 s14, $0x3;
	s28 =	sshrl.u32 s20, $0x3  }
0x12: {  	s30 =	sshrl.u32 s29, $0x3;
	s31 =	sadd.s32 s22, s17;
	s17 =	sadd.s32 s21, s3  }
0x13: {  	s21 =	simm.s32 $0x100;
	s22 =	simm.s32 $0x2;
	s7 =	sadd.s32 s18, s26  }
0x14: {  	s12 =	sadd.s32 s18, s12;
	s14 =	sadd.s32 s18, s14;
	s16 =	sadd.s32 s18, s28  }
0x15: {  	v0 =	vimm.f32 $0.0e+00;
	s18 =	sadd.s32 s18, s30;
	s19 =	sadd.s32 $0x2200, s31;
	s20 =	sadd.s32 $0x15E00, s31  }
.LBB2_1:
0x16: {  	s26 =	simm.s32 $0x0;
	s28 =	simm.s32 $0x200  }
.LBB2_2:
0x17: {  	p0 =	sne.s32 s28, $0xFE00;
	[tilespmem:s26+$0x170] =	vst v0  }
0x18: {  	[tilespmem:s26+$0x100] =	vst v0  }
0x19: {  	[tilespmem:s26+$0x110] =	vst v0  }
.Ltmp0:
0x1a: {  	[tilespmem:s26+$0x120] =	vst v0;
	(pc) =	sbr.rel @p0 .LBB2_2-.Ltmp0, $4  }
0x1b: {  	[tilespmem:s26+$0x130] =	vst v0  }
0x1c: {  	[tilespmem:s26+$0x140] =	vst v0  }
0x1d: {  	[tilespmem:s26+$0x150] =	vst v0  }
0x1e: {  	[tilespmem:s26+$0x160] =	vst v0;
	s26 =	sshra.s32 s28, $0x2;
	s28 =	sadd.s32 $0x200, s28  }
0x1f: {  	[tilespmem:s26+$0x170] =	vst v0  }
0x20: {  	[tilespmem:s26+$0x100] =	vst v0  }
0x21: {  	[tilespmem:s26+$0x110] =	vst v0  }
0x22: {  	[tilespmem:s26+$0x120] =	vst v0  }
0x23: {  	[tilespmem:s26+$0x130] =	vst v0  }
0x24: {  	[tilespmem:s26+$0x140] =	vst v0  }
0x25: {  	[tilespmem:s26+$0x150] =	vst v0  }
0x26: {  	[tilespmem:s26+$0x160] =	vst v0  }
0x27: {  	[spmem:s5] =	stream.linear.scatter [tilespmem:s21], [sflag:$0x2], $0x4000, $0x38;
	[tilespmem:$0x17D00] =	vst v63  }
0x28: {  	_ =	swait.ge [sflag:s22], $0x4000  }
0x29: {  	[sflag:s22] =	ssyncset.done $0x0  }
0x2a: {  	[sflag:s22] =	ssyncadd.s32 $0xFFFFC000  }
0x2b: {  	[spmem:s9] =	stream.linear.scatter [tilespmem:s21], [sflag:$0x2], $0x4000, $0x38;
	[tilespmem:$0x17D00] =	vst v63  }
0x2c: {  	_ =	swait.ge [sflag:s22], $0x4000  }
0x2d: {  	[sflag:s22] =	ssyncset.done $0x0  }
0x2e: {  	[sflag:s22] =	ssyncadd.s32 $0xFFFFC000  }
0x2f: {  	[spmem:s10] =	stream.linear.scatter [tilespmem:s21], [sflag:$0x2], $0x4000, $0x38;
	[tilespmem:$0x17D00] =	vst v63  }
0x30: {  	_ =	swait.ge [sflag:s22], $0x4000  }
0x31: {  	[sflag:s22] =	ssyncset.done $0x0  }
0x32: {  	[sflag:s22] =	ssyncadd.s32 $0xFFFFC000  }
0x33: {  	[spmem:s11] =	stream.linear.scatter [tilespmem:s21], [sflag:$0x2], $0x4000, $0x38;
	[tilespmem:$0x17D00] =	vst v63  }
0x34: {  	_ =	swait.ge [sflag:s22], $0x4000  }
0x35: {  	[sflag:s22] =	ssyncset.done $0x0  }
0x36: {  	[sflag:s22] =	ssyncadd.s32 $0xFFFFC000  }
0x37: {  	[spmem:s6] =	stream.linear.scatter [tilespmem:s21], [sflag:$0x2], $0x3C00, $0x38;
	[tilespmem:$0x17D00] =	vst v63  }
0x38: {  	_ =	swait.ge [sflag:s22], $0x3C00  }
0x39: {  	[sflag:s22] =	ssyncset.done $0x0  }
0x3a: {  	[sflag:s22] =	ssyncadd.s32 $0xFFFFC400  }
0x3b: {  	s30 =	sadd.s32 $0x0, s20;
	[bflag:$0x0] =	sbarrier.arrive $0xFFFF  }
0x3c: {  	[tilespmem:s4], [sflag:$0x2] =	stream.linear.gather [hbm4b:s30+s4], $0x80, $0x38;
	[tilespmem:$0x17D00] =	vst v63  }
0x3d: {  	_ =	swait.ge [sflag:s22], $0x80  }
0x3e: {  	[sflag:s22] =	ssyncset.done $0x0  }
0x3f: {  	s31 =	sadd.s32 $0x0, s19;
	[sflag:s22] =	ssyncadd.s32 $0xFFFFFF80  }
0x40: {  	[tilespmem:s23], [sflag:$0x2] =	stream.linear.gather [hbm4b:s31+s4], $0x80, $0x38;
	[tilespmem:$0x17D00] =	vst v63  }
0x41: {  	_ =	swait.ge [sflag:s22], $0x80  }
0x42: {  	[sflag:s22] =	ssyncset.done $0x0  }
0x43: {  	[sflag:s22] =	ssyncadd.s32 $0xFFFFFF80  }
0x44: {  	[tilespmem:s21], [sflag:$0x1] =	stream.indirect.gather [hbm4b:s0+s23], $0x80, s4, s23, $0xb8;
	[tilespmem:$0x17D00] =	vst v63  }
0x45: {  	_ =	swait.ge [sflag:s24], $0x4000  }
0x46: {  	[sflag:s24] =	ssyncset.done $0x0  }
0x47: {  	[sflag:s24] =	ssyncadd.s32 $0xFFFFC000  }
0x48: {  	[spmem:s3] =	stream.indirect.scatter.add.f32 [tilespmem:s21], [sflag:$0x2], $0x80, s23, s23, $0xb8;
	[tilespmem:$0x17D00] =	vst v63  }
0x49: {  	_ =	swait.ge [sflag:s22], $0x4000  }
0x4a: {  	s26 =	simm.s32 $0x10;
	s28 =	simm.s32 $0x20;
	[sflag:s22] =	ssyncset.done $0x0  }
.LBB2_4:
0x4b: {  	s29 =	sadd.s32 s26, s20  }
0x4c: {  	[sflag:s22] =	ssyncadd.s32 $0xFFFFC000;
	s30 =	smov.u32 s28;
	s31 =	sadd.s32 $0x10, s28  }
0x4d: {  	[tilespmem:s4], [sflag:$0x2] =	stream.linear.gather [hbm4b:s29+s4], $0x80, $0x38;
	[tilespmem:$0x17D00] =	vst v63  }
0x4e: {  	p0 =	sne.s32 s28, $0x4E0;
	_ =	swait.ge [sflag:s22], $0x80  }
0x4f: {  	[sflag:s22] =	ssyncset.done $0x0  }
0x50: {  	s28 =	sadd.s32 s26, s19;
	s26 =	smov.u32 s30;
	[sflag:s22] =	ssyncadd.s32 $0xFFFFFF80  }
0x51: {  	[tilespmem:s23], [sflag:$0x2] =	stream.linear.gather [hbm4b:s28+s4], $0x80, $0x38;
	[tilespmem:$0x17D00] =	vst v63  }
0x52: {  	_ =	swait.ge [sflag:s22], $0x80  }
0x53: {  	[sflag:s22] =	ssyncset.done $0x0  }
0x54: {  	[sflag:s22] =	ssyncadd.s32 $0xFFFFFF80  }
0x55: {  	[tilespmem:s21], [sflag:$0x1] =	stream.indirect.gather [hbm4b:s0+s23], $0x80, s4, s23, $0xb8;
	[tilespmem:$0x17D00] =	vst v63  }
0x56: {  	_ =	swait.ge [sflag:s24], $0x4000  }
.Ltmp1:
0x57: {  	[sflag:s24] =	ssyncset.done $0x0;
	(pc) =	sbr.rel @p0 .LBB2_4-.Ltmp1, $4  }
0x58: {  	[sflag:s24] =	ssyncadd.s32 $0xFFFFC000  }
0x59: {  	[spmem:s3] =	stream.indirect.scatter.add.f32 [tilespmem:s21], [sflag:$0x2], $0x80, s23, s23, $0xb8;
	[tilespmem:$0x17D00] =	vst v63  }
0x5a: {  	_ =	swait.ge [sflag:s22], $0x4000  }
0x5b: {  	s28 =	smov.u32 s31;
	[sflag:s22] =	ssyncset.done $0x0  }
0x5c: {  	s28 =	sadd.s32 s26, s20;
	[sflag:s22] =	ssyncadd.s32 $0xFFFFC000  }
0x5d: {  	[tilespmem:s4], [sflag:$0x2] =	stream.linear.gather [hbm4b:s28+s4], $0x80, $0x38;
	[tilespmem:$0x17D00] =	vst v63  }
0x5e: {  	_ =	swait.ge [sflag:s22], $0x80  }
0x5f: {  	[sflag:s22] =	ssyncset.done $0x0  }
0x60: {  	s31 =	sadd.s32 s26, s19;
	[sflag:s22] =	ssyncadd.s32 $0xFFFFFF80  }
0x61: {  	[tilespmem:s23], [sflag:$0x2] =	stream.linear.gather [hbm4b:s31+s4], $0x80, $0x38;
	[tilespmem:$0x17D00] =	vst v63  }
0x62: {  	_ =	swait.ge [sflag:s22], $0x80  }
0x63: {  	[sflag:s22] =	ssyncset.done $0x0  }
0x64: {  	[sflag:s22] =	ssyncadd.s32 $0xFFFFFF80  }
0x65: {  	[tilespmem:s21], [sflag:$0x1] =	stream.indirect.gather [hbm4b:s0+s23], $0x80, s4, s23, $0xb8;
	[tilespmem:$0x17D00] =	vst v63  }
0x66: {  	_ =	swait.ge [sflag:s24], $0x4000  }
0x67: {  	[sflag:s24] =	ssyncset.done $0x0  }
0x68: {  	[sflag:s24] =	ssyncadd.s32 $0xFFFFC000  }
0x69: {  	[spmem:s3] =	stream.indirect.scatter.add.f32 [tilespmem:s21], [sflag:$0x2], $0x80, s23, s23, $0xb8;
	[tilespmem:$0x17D00] =	vst v63  }
0x6a: {  	_ =	swait.ge [sflag:s22], $0x4000  }
0x6b: {  	[sflag:s22] =	ssyncset.done $0x0  }
0x6c: {  	[sflag:s22] =	ssyncadd.s32 $0xFFFFC000  }
0x6d: {  	[bflag:$0x0] =	sbarrier.arrive $0xFFFF  }
0x6e: {  	[tilespmem:s21], [sflag:$0x2] =	stream.linear.gather [spmem:s5], $0x4000, $0x38;
	[tilespmem:$0x17D00] =	vst v63  }
0x6f: {  	_ =	swait.ge [sflag:s22], $0x4000  }
0x70: {  	[sflag:s22] =	ssyncset.done $0x0  }
0x71: {  	[sflag:s22] =	ssyncadd.s32 $0xFFFFC000  }
0x72: {  	[hbm4b:s12+s4] =	stream.linear.scatter [tilespmem:s21], [sflag:$0x2], $0x4000, $0x38;
	[tilespmem:$0x17D00] =	vst v63  }
0x73: {  	_ =	swait.ge [sflag:s22], $0x4000  }
0x74: {  	[sflag:s22] =	ssyncset.done $0x0  }
0x75: {  	[sflag:s22] =	ssyncadd.s32 $0xFFFFC000  }
0x76: {  	[tilespmem:s21], [sflag:$0x2] =	stream.linear.gather [spmem:s13], $0x4000, $0x38;
	[tilespmem:$0x17D00] =	vst v63  }
0x77: {  	_ =	swait.ge [sflag:s22], $0x4000  }
0x78: {  	[sflag:s22] =	ssyncset.done $0x0  }
0x79: {  	[sflag:s22] =	ssyncadd.s32 $0xFFFFC000  }
0x7a: {  	[hbm4b:s14+s4] =	stream.linear.scatter [tilespmem:s21], [sflag:$0x2], $0x4000, $0x38;
	[tilespmem:$0x17D00] =	vst v63  }
0x7b: {  	_ =	swait.ge [sflag:s22], $0x4000  }
0x7c: {  	[sflag:s22] =	ssyncset.done $0x0  }
0x7d: {  	[sflag:s22] =	ssyncadd.s32 $0xFFFFC000  }
0x7e: {  	[tilespmem:s21], [sflag:$0x2] =	stream.linear.gather [spmem:s15], $0x4000, $0x38;
	[tilespmem:$0x17D00] =	vst v63  }
0x7f: {  	_ =	swait.ge [sflag:s22], $0x4000  }
0x80: {  	[sflag:s22] =	ssyncset.done $0x0  }
0x81: {  	[sflag:s22] =	ssyncadd.s32 $0xFFFFC000  }
0x82: {  	[hbm4b:s16+s4] =	stream.linear.scatter [tilespmem:s21], [sflag:$0x2], $0x4000, $0x38;
	[tilespmem:$0x17D00] =	vst v63  }
0x83: {  	_ =	swait.ge [sflag:s22], $0x4000  }
0x84: {  	[sflag:s22] =	ssyncset.done $0x0  }
0x85: {  	[sflag:s22] =	ssyncadd.s32 $0xFFFFC000  }
0x86: {  	[tilespmem:s21], [sflag:$0x2] =	stream.linear.gather [spmem:s17], $0x4000, $0x38;
	[tilespmem:$0x17D00] =	vst v63  }
0x87: {  	_ =	swait.ge [sflag:s22], $0x4000  }
0x88: {  	[sflag:s22] =	ssyncset.done $0x0  }
0x89: {  	[sflag:s22] =	ssyncadd.s32 $0xFFFFC000  }
0x8a: {  	[hbm4b:s18+s4] =	stream.linear.scatter [tilespmem:s21], [sflag:$0x2], $0x4000, $0x38;
	[tilespmem:$0x17D00] =	vst v63  }
0x8b: {  	_ =	swait.ge [sflag:s22], $0x4000  }
0x8c: {  	[sflag:s22] =	ssyncset.done $0x0  }
0x8d: {  	[sflag:s22] =	ssyncadd.s32 $0xFFFFC000  }
0x8e: {  	[tilespmem:s21], [sflag:$0x2] =	stream.linear.gather [spmem:s6], $0x3C00, $0x38;
	[tilespmem:$0x17D00] =	vst v63  }
0x8f: {  	s25 =	sadd.s32 $0x1, s25;
	_ =	swait.ge [sflag:s22], $0x3C00  }
0x90: {  	p0 =	sne.s32 s25, s8;
	[sflag:s22] =	ssyncset.done $0x0  }
.Ltmp2:
0x91: {  	[sflag:s22] =	ssyncadd.s32 $0xFFFFC400;
	(pc) =	sbr.rel @p0 .LBB2_1-.Ltmp2, $4  }
0x92: {  	[hbm4b:s7+s4] =	stream.linear.scatter [tilespmem:s21], [sflag:$0x2], $0x3C00, $0x38;
	[tilespmem:$0x17D00] =	vst v63  }
0x93: {  	_ =	swait.ge [sflag:s22], $0x3C00  }
0x94: {  	[sflag:s22] =	ssyncset.done $0x0  }
0x95: {  	[sflag:s22] =	ssyncadd.s32 $0xFFFFC400  }
0x96: {  	_ =	sfence.sel $0x180000  }
0x97: {  	[bflag:$0x0] =	sbarrier.arrive $0xFFFF  }
0x98: {  	p0 =	sne.s32 s2, $0x0;
	_ =	strace $0x9000004D  }
0x99: {  	s0 =	sadd.s32 @!p0 $0x100000, s1;
	[bflag:$0x2] =	sbarrier.arrive $0xFFFF  }
0x9a: {  	[sflag:s0] =	ssyncadd.tile.s32 @!p0 $0x1;
	_ =	shalt  }
.Lfunc_end2:
_tile_overlayer_lowered:
.L_overlay_start_2:
0x9b: {  	(tag) =	ssettag $0x2  }
0x9c: {  	s0 =	rddreg [dreg:$0x0];
	s2 =	stileid.u32  }
0x9d: {  	s1 =	rddreg [dreg:$0x1];
	p0 =	sne.s32 s2, $0x0  }
0x9e: {  	s3 =	rddreg [dreg:$0x2];
	[bflag:$0x3] =	sbarrier.arrive $0xFFFF;
	s2 =	simm.s32 @!p0 $0x1C02  }
0x9f: {  	[timem:s3], [sflag:s2] =	dma.local @!p0 [hbm:s0], s1  }
0xa0: {  	s0 =	simm.s32 @!p0 $0x2  }
0xa1: {  	_ =	swait.ge @!p0 [sflag:s0], s1  }
0xa2: {  	s1 =	ssub.s32 @!p0 $0x0, s1;
	[sflag:s0] =	ssyncset.done @!p0 $0x0  }
0xa3: {  	[sflag:s0] =	ssyncadd.s32 @!p0 s1  }
0xa4: {  	[bflag:$0x3] =	sbarrier.arrive $0xFFFF  }
0xa5: {  	_ =	shalt  }

// kernel: kernel.8.cloned.1.call-start
scs
__scs_entry_jumppad:
0x0: {  	(pc) =	sbr.rel $0x88, $3  }
0x1: {  	(tag) =	ssettag $0x0;
	lr =	simm.s32 $0x1  }
0x2: {  	[smem:$0x3F99] =	sst lr;
	_ =	strace $0xD0000000  }
0x3: {  	_ = 	snop  }
0x4: {  	_ = 	snop  }
0x5: {  	_ = 	snop  }
0x6: {  	_ = 	snop  }
0x7: {  	_ = 	snop  }
__scs_overlays_trampoline_lowered:
0x8: {  	[smem:$0x3FA8] =	sst s0  }
0x9: {  	[smem:$0x3FA9] =	sst s1  }
0xa: {  	[smem:$0x3FAA] =	sst s2  }
0xb: {  	[smem:$0x3FAB] =	sst s3  }
0xc: {  	[smem:$0x3FAC] =	sst s4  }
0xd: {  	[smem:$0x3FAD] =	sst s5  }
0xe: {  	[smem:$0x3FAE] =	sst s6  }
0xf: {  	[smem:$0x3FAF] =	sst s7  }
0x10: {  	[smem:$0x3FB0] =	sst s8  }
0x11: {  	[smem:$0x3FB1] =	sst s9;
	s0 =	simm.s32 @!p0 $0x0  }
0x12: {  	s1 =	sld [smem:$0x3F97];
	s0 =	simm.s32 @p0 $0x1  }
0x13: {  	[smem:$0x3FB2] =	sst s0;
	s0 =	simm.s32 @!p1 $0x0  }
0x14: {  	s2 =	sld [smem:$0x3F96];
	s0 =	simm.s32 @p1 $0x1  }
0x15: {  	[smem:$0x3FB3] =	sst s0;
	s0 =	simm.s32 @!p2 $0x0  }
0x16: {  	s3 =	sld [smem:$0x3FDB];
	s0 =	simm.s32 @p2 $0x1  }
0x17: {  	s4 =	simm.s32 $0x1BF5;
	[smem:$0x3FB5] =	sst s0  }
0x18: {  	s0 =	sld [smem:$0x3F98];
	_ =	swait.ge [sflag:s4], $0x0  }
0x19: {  	s7 =	sld [smem:$0x3F99]  }
0x1a: {  	s8 =	sadd.s32 $0xFFFFE003, lr  }
0x1b: {  	s9 =	sadd.s32 $0xFFFFFEF7, lr;
	s5 =	simm.s32 $0xFFFFFFFF;
	p2 =	slt.u32 s8, $0xFFFFF086  }
0x1c: {  	p1 =	slt.u32 s9, $0xF7A;
	s5 =	simm.s32 @!p2 $0x0  }
0x1d: {  	s5 =	simm.s32 @p1 $0x1;
	p0 =	seq.s32 s7, s2  }
0x1e: {  	s7 =	smul.u32 @!p0 $0xF7A, s2;
	p2 =	seq.s32 @!p0 s5, $0x0  }
0x1f: {  	s9 =	smul.u32 $0xF7A, s1;
	s8 =	simm.s32 @!p0 $0x1BF5;
	p2 =	por !p2, p0  }
0x20: {  	[sflag:s8] =	ssyncset.s32 @!p0 $0xFFFFF086;
	s6 =	sadd.s32 @!p0 s3, s7;
	s7 =	simm.s32 @!p0 $0x108  }
0x21: {  	s3 =	sadd.s32 s3, s9;
	s6 =	sadd.s32 @!p0 $0x88, s6;
	s7 =	simm.s32 @p2 $0x1082  }
0x22: {  	[simem:s7], [sflag:s8] =	dma.local @!p0 [hbm:s6], $0xF7A  }
0x23: {  	s9 =	sor.u32 $0xD0000000, s2;
	s6 =	simm.s32 $0x108;
	_ =	swait.ge @!p0 [sflag:s8], $0x0  }
0x24: {  	s3 =	sadd.s32 $0x88, s3;
	s6 =	simm.s32 @!p1 $0x1082;
	[sflag:s4] =	ssyncset.s32 $0xFFFFF086  }
0x25: {  	[simem:s6], [sflag:s4] =	dma.local [hbm:s3], $0xF7A  }
0x26: {  	[smem:$0x3F99] =	sst s1;
	(tag) =	ssettag s2;
	_ =	strace s9  }
0x27: {  	s1 =	sld [smem:$0x3FA9]  }
0x28: {  	s2 =	sld [smem:$0x3FAA]  }
0x29: {  	s4 =	sld [smem:$0x3FAC]  }
0x2a: {  	p0 =	seq.s32 s5, $0x0;
	s5 =	sld [smem:$0x3FAD]  }
0x2b: {  	s6 =	sld [smem:$0x3FAE]  }
0x2c: {  	s7 =	sld [smem:$0x3FAF]  }
0x2d: {  	s3 =	simm.s32 $0x108;
	s8 =	sld [smem:$0x3FB0]  }
0x2e: {  	s3 =	simm.s32 @!p0 $0x1082;
	s9 =	sld [smem:$0x3FB1]  }
0x2f: {  	lr =	sadd.s32 s0, s3;
	s0 =	sld [smem:$0x3FA8]  }
0x30: {  	s3 =	sld [smem:$0x3FAB]  }
0x31: {  	[smem:$0x3FB4] =	sst s10  }
0x32: {  	s10 =	sld [smem:$0x3FB2];
	_ =	sdelay $0x3  }
0x33: {  	p0 =	seq.s32 s10, $0x1;
	s10 =	sld [smem:$0x3FB4];
	_ =	sdelay $0x3  }
0x34: {  	[smem:$0x3FB4] =	sst s10  }
0x35: {  	s10 =	sld [smem:$0x3FB3];
	_ =	sdelay $0x3  }
0x36: {  	p1 =	seq.s32 s10, $0x1;
	s10 =	sld [smem:$0x3FB4];
	_ =	sdelay $0x3  }
0x37: {  	[smem:$0x3FB4] =	sst s10  }
0x38: {  	s10 =	sld [smem:$0x3FB5]  }
0x39: {  	_ = 	snop;
	(pc) =	sbr.ind lr, $3  }
0x3a: {  	_ = 	snop  }
0x3b: {  	_ = 	snop  }
0x3c: {  	p2 =	seq.s32 s10, $0x1;
	s10 =	sld [smem:$0x3FB4]  }
0x3d: {  	_ =	shalt  }
0x3e: {  	_ =	shalt  }
0x3f: {  	_ =	shalt  }
0x40: {  	_ =	shalt  }
0x41: {  	_ =	shalt  }
0x42: {  	_ =	shalt  }
0x43: {  	_ =	shalt  }
0x44: {  	_ =	shalt  }
0x45: {  	_ =	shalt  }
0x46: {  	_ =	shalt  }
0x47: {  	_ =	shalt  }
0x48: {  	_ =	shalt  }
0x49: {  	_ =	shalt  }
0x4a: {  	_ =	shalt  }
0x4b: {  	_ =	shalt  }
0x4c: {  	_ =	shalt  }
0x4d: {  	_ =	shalt  }
0x4e: {  	_ =	shalt  }
0x4f: {  	_ =	shalt  }
0x50: {  	_ =	shalt  }
0x51: {  	_ =	shalt  }
0x52: {  	_ =	shalt  }
0x53: {  	_ =	shalt  }
0x54: {  	_ =	shalt  }
0x55: {  	_ =	shalt  }
0x56: {  	_ =	shalt  }
0x57: {  	_ =	shalt  }
0x58: {  	_ =	shalt  }
0x59: {  	_ =	shalt  }
0x5a: {  	_ =	shalt  }
0x5b: {  	_ =	shalt  }
0x5c: {  	_ =	shalt  }
0x5d: {  	_ =	shalt  }
0x5e: {  	_ =	shalt  }
0x5f: {  	_ =	shalt  }
0x60: {  	_ =	shalt  }
0x61: {  	_ =	shalt  }
0x62: {  	_ =	shalt  }
0x63: {  	_ =	shalt  }
0x64: {  	_ =	shalt  }
0x65: {  	_ =	shalt  }
0x66: {  	_ =	shalt  }
0x67: {  	_ =	shalt  }
0x68: {  	_ =	shalt  }
0x69: {  	_ =	shalt  }
0x6a: {  	_ =	shalt  }
0x6b: {  	_ =	shalt  }
0x6c: {  	_ =	shalt  }
0x6d: {  	_ =	shalt  }
0x6e: {  	_ =	shalt  }
0x6f: {  	_ =	shalt  }
0x70: {  	_ =	shalt  }
0x71: {  	_ =	shalt  }
0x72: {  	_ =	shalt  }
0x73: {  	_ =	shalt  }
0x74: {  	_ =	shalt  }
0x75: {  	_ =	shalt  }
0x76: {  	_ =	shalt  }
0x77: {  	_ =	shalt  }
0x78: {  	_ =	shalt  }
0x79: {  	_ =	shalt  }
0x7a: {  	_ =	shalt  }
0x7b: {  	_ =	shalt  }
0x7c: {  	_ =	shalt  }
0x7d: {  	_ =	shalt  }
0x7e: {  	_ =	shalt  }
0x7f: {  	_ =	shalt  }
0x80: {  	_ =	shalt  }
0x81: {  	_ =	shalt  }
0x82: {  	_ =	shalt  }
0x83: {  	_ =	shalt  }
0x84: {  	_ =	shalt  }
0x85: {  	_ =	shalt  }
0x86: {  	_ =	shalt  }
0x87: {  	_ =	shalt  }
.Lfunc_end0:
.L_simem_size_0:
called_computation_lowered:
.L_overlay_start_0:
0x88: {  	s2 =	sld [smem:$0x3FD9]  }
0x89: {  	s3 =	sld [smem:$0x3FFE];
	_ =	sdelay $0x1  }
0x8a: {  	s1 =	srdreg.scid  }
0x8b: {  	s0 =	sand.u32 $0x1, s1  }
0x8c: {  	s17 =	sshll.u32 s0, $0xA;
	s2 =	sadd.s32 s3, s2  }
0x8d: {  	s2 =	sadd.s32 s2, s17  }
0x8e: {  	[smem:$0x3FC0] =	sst s2  }
0x8f: {  	_ = 	snop  }
0x90: {  	s18 =	sld [smem:$0x3FD0];
	(tm) =	ssettm $0x1  }
0x91: {  	s19 =	sld [smem:$0x3FFB];
	_ =	sdelay $0x3  }
0x92: {  	_ =	strace s19  }
0x93: {  	s2 =	sld [smem:$0x3FFC];
	_ =	sdelay $0x3  }
0x94: {  	_ =	strace s2  }
0x95: {  	s2 =	sld [smem:$0x3FFD];
	_ =	sdelay $0x3  }
0x96: {  	_ =	strace s2  }
0x97: {  	_ =	strace $0x8FFFFFFF  }
0x98: {  	s20 =	sld [smem:$0x3FDB];
	_ =	sdelay $0x1  }
0x99: {  	s4 =	simm.s32 $_scs_section_size  }
0x9a: {  	s5 =	simm.s32 $_size__tile_overlayer_lowered;
	s6 =	simm.s32 $_tile_overlayer_lowered  }
0x9b: {  	s7 =	simm.s32 $0x1BFF;
	s21 =	sshll.u32 s6, $0x1;
	s4 =	sadd.s32 s4, s20  }
0x9c: {  	s22 =	simm.s32 $0x0;
	s5 =	sshll.u32 s5, $0x1;
	s6 =	sadd.s32 s21, s4  }
0x9d: {  	[timem:s22], [sflag:s7] =	dma.local [hbm:s6], s5  }
0x9e: {  	_ =	swait.ge [sflag:s7], s5  }
0x9f: {  	s5 =	ssub.s32 $0x0, s5;
	[sflag:s7] =	ssyncset.done $0x0  }
0xa0: {  	[sflag:s7] =	ssyncadd.s32 s5;
	_ =	sdelay $0x1  }
0xa1: {  	s23 =	simm.s32 $0x1B8B  }
0xa2: {  	_ =	swait.ge [sflag:s23], $0x1  }
0xa3: {  	[sflag:s23] =	ssyncset.done $0x0  }
0xa4: {  	[sflag:s23] =	ssyncadd.s32 $0xFFFFFFFF  }
0xa5: {  	s5 =	sld [smem:$0x0]  }
0xa6: {  	s6 =	sand.u32 $0xFFFFFFFE, s1  }
0xa7: {  	p0 =	sne.s32 s1, s6  }
0xa8: {  	s6 =	sshll.u32 @p0 s6, $0xE  }
0xa9: {  	s6 =	sadd.s32 @p0 $0x11B8D, s6;
	s7 =	sshll.u32 @p0 s5, $0x11  }
0xaa: {  	s6 =	sor.u32 @p0 s7, s6  }
0xab: {  	[sflag:s6] =	ssyncadd.remote.s32 @p0 $0x1;
	_ =	sdelay $0x1  }
0xac: {  	s6 =	simm.s32 @p0 $0x1B8D  }
0xad: {  	_ =	swait.eq @p0 [sflag:s6], $0x1  }
0xae: {  	[sflag:s6] =	ssyncadd.s32 @p0 $0xFFFFFFFF  }
0xaf: {  	s7 =	sshll.u32 @!p0 s1, $0xE  }
0xb0: {  	s7 =	sor.u32 @!p0 $0x4000, s7;
	s6 =	simm.s32 @!p0 $0x1B8D  }
0xb1: {  	s5 =	sshll.u32 @!p0 s5, $0x11;
	s7 =	sadd.s32 @!p0 $0x11B8D, s7;
	_ =	swait.eq @!p0 [sflag:s6], $0x1  }
0xb2: {  	s5 =	sor.u32 @!p0 s5, s7;
	[sflag:s6] =	ssyncadd.s32 @!p0 $0xFFFFFFFF  }
0xb3: {  	s25 =	simm.s32 $0x1B8E;
	s24 =	sld [smem:$0x3FFE];
	[sflag:s5] =	ssyncadd.remote.s32 @!p0 $0x1  }
0xb4: {  	s26 =	simm.s32 $execute0_lowered;
	[smem:$0x3FD2] =	sst s25  }
0xb5: {  	s6 =	sshll.u32 s26, $0x1;
	_ =	strace $0x80000049;
	[dreg:$0x1] =	wrdreg $0xFFFFFFFF  }
0xb6: {  	s28 =	simm.s32 $_size_execute0_lowered;
	s4 =	sadd.s32 s4, s6;
	[dreg:$0x0] =	wrdreg $0x0  }
0xb7: {  	s6 =	sshll.u32 s28, $0x1;
	[dreg:$0x2] =	wrdreg s4  }
0xb8: {  	[dreg:$0x3] =	wrdreg s6  }
0xb9: {  	[dreg:$0x4] =	wrdreg $0xC0  }
0xba: {  	_ =	task [dreg:s22], $0x5FFFF  }
0xbb: {  	[dreg:$0x1] =	wrdreg $0xFFFFFFFF  }
0xbc: {  	[dreg:$0x0] =	wrdreg $0x60  }
0xbd: {  	[dreg:$0x2] =	wrdreg s18  }
0xbe: {  	[dreg:$0x3] =	wrdreg s24  }
0xbf: {  	[dreg:$0x4] =	wrdreg $0x41000  }
0xc0: {  	[dreg:$0x5] =	wrdreg $0x9  }
0xc1: {  	_ =	task.clear_ibuf [dreg:s22], $0x6FFFF;
	_ =	strace $0x90000049  }
0xc2: {  	s29 =	simm.s32 $0x9;
	_ =	strace $0x8000004B  }
0xc3: {  	_ =	swait.ge [sflag:s29], $0x1  }
0xc4: {  	[sflag:s29] =	ssyncadd.s32 $0xFFFFFFFF  }
0xc5: {  	_ =	strace $0x9000004B  }
0xc6: {  	_ =	sfence  }
0xc7: {  	s30 =	sld [smem:$0x0];
	_ =	sdelay $0x2  }
0xc8: {  	s31 =	sshll.u32 s1, $0xD;
	s1 =	sshrl.u32 s1, $0x2  }
0xc9: {  	s4 =	sand.u32 $0x4000, s31;
	s1 =	sadd.s32 s1, s30  }
0xca: {  	s0 =	sor.u32 s4, s0;
	s1 =	sshll.u32 s1, $0x11  }
0xcb: {  	s0 =	sor.u32 s1, s0  }
0xcc: {  	s0 =	sadd.s32 $0x8F2B, s0  }
0xcd: {  	[sflag:s0] =	ssyncadd.remote.s32 $0x1  }
0xce: {  	_ =	sfence.sel $0xFFFF  }
0xcf: {  	[dreg:$0x0] =	wrdreg $0xFFFFFFFF;
	(pc) =	sbr.abs _section_cstart, $3  }
0xd0: {  	[dreg:$0x1] =	wrdreg $0xFFFFFFFF  }
0xd1: {  	_ =	task.clear_ibuf [dreg:s22], $0x2FFFF;
	_ =	strace $0x9FFFFFFF  }
0xd2: {  	(tm) =	ssettm $0x7FFFFFFF  }
0xd3: {  	_ =	shalt  }
tec
execute0_lowered:
.L_overlay_start_1:
0x0: {  	(tag) =	ssettag $0x1  }
0x1: {  	s0 =	rddreg [dreg:$0x0]  }
0x2: {  	s5 =	rddreg [dreg:$0x1]  }
0x3: {  	s1 =	srdreg.scid;
	s2 =	stileid.u32  }
0x4: {  	s3 =	rddreg [dreg:$0x2];
	s4 =	simm.s32 $0x0;
	s8 =	smul.u32 $0x4F000, s2  }
0x5: {  	s6 =	sand.u32 $0x1, s1;
	s1 =	rddreg [dreg:$0x3];
	s15 =	smul.u32 $0x13C00, s2  }
0x6: {  	[smem:$0x7FF] =	sst s4;
	s22 =	smul.u32 $0x4F0, s2  }
0x7: {  	s18 =	sadd.s32 $0x1FC00, s5;
	s7 =	smul.u32 $0x4F00, s6;
	_ =	strace $0x8000004A  }
0x8: {  	s16 =	smul.u32 $0x13C000, s6;
	s23 =	ssub.s32 $0x2, s6;
	s24 =	sadd.s32 $0x10000, s15  }
0x9: {  	s25 =	sshrl.u32 s23, $0x1;
	s8 =	sshrl.u32 s8, $0x2;
	s13 =	sadd.s32 $0x4000, s15  }
0xa: {  	s19 =	sadd.s32 $0x8000, s15;
	s21 =	sadd.s32 $0xC000, s15;
	s17 =	sadd.s32 s7, s5  }
0xb: {  	s9 =	sadd.s32 s16, s24;
	s10 =	ssub.s32 s23, s25;
	s5 =	sadd.s32 s8, s3  }
0xc: {  	s6 =	sadd.s32 s24, s3;
	s11 =	sadd.s32 s16, s15;
	s14 =	sadd.s32 s16, s13  }
0xd: {  	s13 =	sadd.s32 s13, s3;
	s20 =	sadd.s32 s16, s19;
	s15 =	sadd.s32 s19, s3  }
0xe: {  	s29 =	sadd.s32 s16, s21;
	s23 =	simm.s32 $0x80;
	s24 =	simm.s32 $0x1  }
0xf: {  	s25 =	simm.s32 $0x0;
	s26 =	sshrl.u32 s9, $0x3;
	s8 =	smax.u32 s10, $0x1  }
0x10: {  	s9 =	sadd.s32 $0x4000, s5;
	s10 =	sadd.s32 $0x8000, s5;
	s12 =	sshrl.u32 s11, $0x3  }
0x11: {  	s11 =	sadd.s32 $0xC000, s5;
	s14 =	sshrl.u32 s14, $0x3;
	s28 =	sshrl.u32 s20, $0x3  }
0x12: {  	s30 =	sshrl.u32 s29, $0x3;
	s31 =	sadd.s32 s22, s17;
	s17 =	sadd.s32 s21, s3  }
0x13: {  	s21 =	simm.s32 $0x100;
	s22 =	simm.s32 $0x2;
	s7 =	sadd.s32 s18, s26  }
0x14: {  	s12 =	sadd.s32 s18, s12;
	s14 =	sadd.s32 s18, s14;
	s16 =	sadd.s32 s18, s28  }
0x15: {  	v0 =	vimm.f32 $0.0e+00;
	s18 =	sadd.s32 s18, s30;
	s19 =	sadd.s32 $0x2200, s31;
	s20 =	sadd.s32 $0x15E00, s31  }
.LBB2_1:
0x16: {  	s26 =	simm.s32 $0x0;
	s28 =	simm.s32 $0x200  }
.LBB2_2:
0x17: {  	p0 =	sne.s32 s28, $0xFE00;
	[tilespmem:s26+$0x170] =	vst v0  }
0x18: {  	[tilespmem:s26+$0x100] =	vst v0  }
0x19: {  	[tilespmem:s26+$0x110] =	vst v0  }
.Ltmp0:
0x1a: {  	[tilespmem:s26+$0x120] =	vst v0;
	(pc) =	sbr.rel @p0 .LBB2_2-.Ltmp0, $4  }
0x1b: {  	[tilespmem:s26+$0x130] =	vst v0  }
0x1c: {  	[tilespmem:s26+$0x140] =	vst v0  }
0x1d: {  	[tilespmem:s26+$0x150] =	vst v0  }
0x1e: {  	[tilespmem:s26+$0x160] =	vst v0;
	s26 =	sshra.s32 s28, $0x2;
	s28 =	sadd.s32 $0x200, s28  }
0x1f: {  	[tilespmem:s26+$0x170] =	vst v0  }
0x20: {  	[tilespmem:s26+$0x100] =	vst v0  }
0x21: {  	[tilespmem:s26+$0x110] =	vst v0  }
0x22: {  	[tilespmem:s26+$0x120] =	vst v0  }
0x23: {  	[tilespmem:s26+$0x130] =	vst v0  }
0x24: {  	[tilespmem:s26+$0x140] =	vst v0  }
0x25: {  	[tilespmem:s26+$0x150] =	vst v0  }
0x26: {  	[tilespmem:s26+$0x160] =	vst v0  }
0x27: {  	[spmem:s5] =	stream.linear.scatter [tilespmem:s21], [sflag:$0x2], $0x4000, $0x38;
	[tilespmem:$0x17D00] =	vst v63  }
0x28: {  	_ =	swait.ge [sflag:s22], $0x4000  }
0x29: {  	[sflag:s22] =	ssyncset.done $0x0  }
0x2a: {  	[sflag:s22] =	ssyncadd.s32 $0xFFFFC000  }
0x2b: {  	[spmem:s9] =	stream.linear.scatter [tilespmem:s21], [sflag:$0x2], $0x4000, $0x38;
	[tilespmem:$0x17D00] =	vst v63  }
0x2c: {  	_ =	swait.ge [sflag:s22], $0x4000  }
0x2d: {  	[sflag:s22] =	ssyncset.done $0x0  }
0x2e: {  	[sflag:s22] =	ssyncadd.s32 $0xFFFFC000  }
0x2f: {  	[spmem:s10] =	stream.linear.scatter [tilespmem:s21], [sflag:$0x2], $0x4000, $0x38;
	[tilespmem:$0x17D00] =	vst v63  }
0x30: {  	_ =	swait.ge [sflag:s22], $0x4000  }
0x31: {  	[sflag:s22] =	ssyncset.done $0x0  }
0x32: {  	[sflag:s22] =	ssyncadd.s32 $0xFFFFC000  }
0x33: {  	[spmem:s11] =	stream.linear.scatter [tilespmem:s21], [sflag:$0x2], $0x4000, $0x38;
	[tilespmem:$0x17D00] =	vst v63  }
0x34: {  	_ =	swait.ge [sflag:s22], $0x4000  }
0x35: {  	[sflag:s22] =	ssyncset.done $0x0  }
0x36: {  	[sflag:s22] =	ssyncadd.s32 $0xFFFFC000  }
0x37: {  	[spmem:s6] =	stream.linear.scatter [tilespmem:s21], [sflag:$0x2], $0x3C00, $0x38;
	[tilespmem:$0x17D00] =	vst v63  }
0x38: {  	_ =	swait.ge [sflag:s22], $0x3C00  }
0x39: {  	[sflag:s22] =	ssyncset.done $0x0  }
0x3a: {  	[sflag:s22] =	ssyncadd.s32 $0xFFFFC400  }
0x3b: {  	s30 =	sadd.s32 $0x0, s20;
	[bflag:$0x0] =	sbarrier.arrive $0xFFFF  }
0x3c: {  	[tilespmem:s4], [sflag:$0x2] =	stream.linear.gather [hbm4b:s30+s4], $0x80, $0x38;
	[tilespmem:$0x17D00] =	vst v63  }
0x3d: {  	_ =	swait.ge [sflag:s22], $0x80  }
0x3e: {  	[sflag:s22] =	ssyncset.done $0x0  }
0x3f: {  	s31 =	sadd.s32 $0x0, s19;
	[sflag:s22] =	ssyncadd.s32 $0xFFFFFF80  }
0x40: {  	[tilespmem:s23], [sflag:$0x2] =	stream.linear.gather [hbm4b:s31+s4], $0x80, $0x38;
	[tilespmem:$0x17D00] =	vst v63  }
0x41: {  	_ =	swait.ge [sflag:s22], $0x80  }
0x42: {  	[sflag:s22] =	ssyncset.done $0x0  }
0x43: {  	[sflag:s22] =	ssyncadd.s32 $0xFFFFFF80  }
0x44: {  	[tilespmem:s21], [sflag:$0x1] =	stream.indirect.gather [hbm4b:s0+s23], $0x80, s4, s23, $0xb8;
	[tilespmem:$0x17D00] =	vst v63  }
0x45: {  	_ =	swait.ge [sflag:s24], $0x4000  }
0x46: {  	[sflag:s24] =	ssyncset.done $0x0  }
0x47: {  	[sflag:s24] =	ssyncadd.s32 $0xFFFFC000  }
0x48: {  	[spmem:s3] =	stream.indirect.scatter.add.f32 [tilespmem:s21], [sflag:$0x2], $0x80, s23, s23, $0xb8;
	[tilespmem:$0x17D00] =	vst v63  }
0x49: {  	_ =	swait.ge [sflag:s22], $0x4000  }
0x4a: {  	s26 =	simm.s32 $0x10;
	s28 =	simm.s32 $0x20;
	[sflag:s22] =	ssyncset.done $0x0  }
.LBB2_4:
0x4b: {  	s29 =	sadd.s32 s26, s20  }
0x4c: {  	[sflag:s22] =	ssyncadd.s32 $0xFFFFC000;
	s30 =	smov.u32 s28;
	s31 =	sadd.s32 $0x10, s28  }
0x4d: {  	[tilespmem:s4], [sflag:$0x2] =	stream.linear.gather [hbm4b:s29+s4], $0x80, $0x38;
	[tilespmem:$0x17D00] =	vst v63  }
0x4e: {  	p0 =	sne.s32 s28, $0x4E0;
	_ =	swait.ge [sflag:s22], $0x80  }
0x4f: {  	[sflag:s22] =	ssyncset.done $0x0  }
0x50: {  	s28 =	sadd.s32 s26, s19;
	s26 =	smov.u32 s30;
	[sflag:s22] =	ssyncadd.s32 $0xFFFFFF80  }
0x51: {  	[tilespmem:s23], [sflag:$0x2] =	stream.linear.gather [hbm4b:s28+s4], $0x80, $0x38;
	[tilespmem:$0x17D00] =	vst v63  }
0x52: {  	_ =	swait.ge [sflag:s22], $0x80  }
0x53: {  	[sflag:s22] =	ssyncset.done $0x0  }
0x54: {  	[sflag:s22] =	ssyncadd.s32 $0xFFFFFF80  }
0x55: {  	[tilespmem:s21], [sflag:$0x1] =	stream.indirect.gather [hbm4b:s0+s23], $0x80, s4, s23, $0xb8;
	[tilespmem:$0x17D00] =	vst v63  }
0x56: {  	_ =	swait.ge [sflag:s24], $0x4000  }
.Ltmp1:
0x57: {  	[sflag:s24] =	ssyncset.done $0x0;
	(pc) =	sbr.rel @p0 .LBB2_4-.Ltmp1, $4  }
0x58: {  	[sflag:s24] =	ssyncadd.s32 $0xFFFFC000  }
0x59: {  	[spmem:s3] =	stream.indirect.scatter.add.f32 [tilespmem:s21], [sflag:$0x2], $0x80, s23, s23, $0xb8;
	[tilespmem:$0x17D00] =	vst v63  }
0x5a: {  	_ =	swait.ge [sflag:s22], $0x4000  }
0x5b: {  	s28 =	smov.u32 s31;
	[sflag:s22] =	ssyncset.done $0x0  }
0x5c: {  	s28 =	sadd.s32 s26, s20;
	[sflag:s22] =	ssyncadd.s32 $0xFFFFC000  }
0x5d: {  	[tilespmem:s4], [sflag:$0x2] =	stream.linear.gather [hbm4b:s28+s4], $0x80, $0x38;
	[tilespmem:$0x17D00] =	vst v63  }
0x5e: {  	_ =	swait.ge [sflag:s22], $0x80  }
0x5f: {  	[sflag:s22] =	ssyncset.done $0x0  }
0x60: {  	s31 =	sadd.s32 s26, s19;
	[sflag:s22] =	ssyncadd.s32 $0xFFFFFF80  }
0x61: {  	[tilespmem:s23], [sflag:$0x2] =	stream.linear.gather [hbm4b:s31+s4], $0x80, $0x38;
	[tilespmem:$0x17D00] =	vst v63  }
0x62: {  	_ =	swait.ge [sflag:s22], $0x80  }
0x63: {  	[sflag:s22] =	ssyncset.done $0x0  }
0x64: {  	[sflag:s22] =	ssyncadd.s32 $0xFFFFFF80  }
0x65: {  	[tilespmem:s21], [sflag:$0x1] =	stream.indirect.gather [hbm4b:s0+s23], $0x80, s4, s23, $0xb8;
	[tilespmem:$0x17D00] =	vst v63  }
0x66: {  	_ =	swait.ge [sflag:s24], $0x4000  }
0x67: {  	[sflag:s24] =	ssyncset.done $0x0  }
0x68: {  	[sflag:s24] =	ssyncadd.s32 $0xFFFFC000  }
0x69: {  	[spmem:s3] =	stream.indirect.scatter.add.f32 [tilespmem:s21], [sflag:$0x2], $0x80, s23, s23, $0xb8;
	[tilespmem:$0x17D00] =	vst v63  }
0x6a: {  	_ =	swait.ge [sflag:s22], $0x4000  }
0x6b: {  	[sflag:s22] =	ssyncset.done $0x0  }
0x6c: {  	[sflag:s22] =	ssyncadd.s32 $0xFFFFC000  }
0x6d: {  	[bflag:$0x0] =	sbarrier.arrive $0xFFFF  }
0x6e: {  	[tilespmem:s21], [sflag:$0x2] =	stream.linear.gather [spmem:s5], $0x4000, $0x38;
	[tilespmem:$0x17D00] =	vst v63  }
0x6f: {  	_ =	swait.ge [sflag:s22], $0x4000  }
0x70: {  	[sflag:s22] =	ssyncset.done $0x0  }
0x71: {  	[sflag:s22] =	ssyncadd.s32 $0xFFFFC000  }
0x72: {  	[hbm4b:s12+s4] =	stream.linear.scatter [tilespmem:s21], [sflag:$0x2], $0x4000, $0x38;
	[tilespmem:$0x17D00] =	vst v63  }
0x73: {  	_ =	swait.ge [sflag:s22], $0x4000  }
0x74: {  	[sflag:s22] =	ssyncset.done $0x0  }
0x75: {  	[sflag:s22] =	ssyncadd.s32 $0xFFFFC000  }
0x76: {  	[tilespmem:s21], [sflag:$0x2] =	stream.linear.gather [spmem:s13], $0x4000, $0x38;
	[tilespmem:$0x17D00] =	vst v63  }
0x77: {  	_ =	swait.ge [sflag:s22], $0x4000  }
0x78: {  	[sflag:s22] =	ssyncset.done $0x0  }
0x79: {  	[sflag:s22] =	ssyncadd.s32 $0xFFFFC000  }
0x7a: {  	[hbm4b:s14+s4] =	stream.linear.scatter [tilespmem:s21], [sflag:$0x2], $0x4000, $0x38;
	[tilespmem:$0x17D00] =	vst v63  }
0x7b: {  	_ =	swait.ge [sflag:s22], $0x4000  }
0x7c: {  	[sflag:s22] =	ssyncset.done $0x0  }
0x7d: {  	[sflag:s22] =	ssyncadd.s32 $0xFFFFC000  }
0x7e: {  	[tilespmem:s21], [sflag:$0x2] =	stream.linear.gather [spmem:s15], $0x4000, $0x38;
	[tilespmem:$0x17D00] =	vst v63  }
0x7f: {  	_ =	swait.ge [sflag:s22], $0x4000  }
0x80: {  	[sflag:s22] =	ssyncset.done $0x0  }
0x81: {  	[sflag:s22] =	ssyncadd.s32 $0xFFFFC000  }
0x82: {  	[hbm4b:s16+s4] =	stream.linear.scatter [tilespmem:s21], [sflag:$0x2], $0x4000, $0x38;
	[tilespmem:$0x17D00] =	vst v63  }
0x83: {  	_ =	swait.ge [sflag:s22], $0x4000  }
0x84: {  	[sflag:s22] =	ssyncset.done $0x0  }
0x85: {  	[sflag:s22] =	ssyncadd.s32 $0xFFFFC000  }
0x86: {  	[tilespmem:s21], [sflag:$0x2] =	stream.linear.gather [spmem:s17], $0x4000, $0x38;
	[tilespmem:$0x17D00] =	vst v63  }
0x87: {  	_ =	swait.ge [sflag:s22], $0x4000  }
0x88: {  	[sflag:s22] =	ssyncset.done $0x0  }
0x89: {  	[sflag:s22] =	ssyncadd.s32 $0xFFFFC000  }
0x8a: {  	[hbm4b:s18+s4] =	stream.linear.scatter [tilespmem:s21], [sflag:$0x2], $0x4000, $0x38;
	[tilespmem:$0x17D00] =	vst v63  }
0x8b: {  	_ =	swait.ge [sflag:s22], $0x4000  }
0x8c: {  	[sflag:s22] =	ssyncset.done $0x0  }
0x8d: {  	[sflag:s22] =	ssyncadd.s32 $0xFFFFC000  }
0x8e: {  	[tilespmem:s21], [sflag:$0x2] =	stream.linear.gather [spmem:s6], $0x3C00, $0x38;
	[tilespmem:$0x17D00] =	vst v63  }
0x8f: {  	s25 =	sadd.s32 $0x1, s25;
	_ =	swait.ge [sflag:s22], $0x3C00  }
0x90: {  	p0 =	sne.s32 s25, s8;
	[sflag:s22] =	ssyncset.done $0x0  }
.Ltmp2:
0x91: {  	[sflag:s22] =	ssyncadd.s32 $0xFFFFC400;
	(pc) =	sbr.rel @p0 .LBB2_1-.Ltmp2, $4  }
0x92: {  	[hbm4b:s7+s4] =	stream.linear.scatter [tilespmem:s21], [sflag:$0x2], $0x3C00, $0x38;
	[tilespmem:$0x17D00] =	vst v63  }
0x93: {  	_ =	swait.ge [sflag:s22], $0x3C00  }
0x94: {  	[sflag:s22] =	ssyncset.done $0x0  }
0x95: {  	[sflag:s22] =	ssyncadd.s32 $0xFFFFC400  }
0x96: {  	_ =	sfence.sel $0x180000  }
0x97: {  	[bflag:$0x0] =	sbarrier.arrive $0xFFFF  }
0x98: {  	p0 =	sne.s32 s2, $0x0;
	_ =	strace $0x9000004A  }
0x99: {  	s0 =	sadd.s32 @!p0 $0x100000, s1;
	[bflag:$0x2] =	sbarrier.arrive $0xFFFF  }
0x9a: {  	[sflag:s0] =	ssyncadd.tile.s32 @!p0 $0x1;
	_ =	shalt  }
.Lfunc_end2:
_tile_overlayer_lowered:
.L_overlay_start_2:
0x9b: {  	(tag) =	ssettag $0x2  }
0x9c: {  	s0 =	rddreg [dreg:$0x0];
	s2 =	stileid.u32  }
0x9d: {  	s1 =	rddreg [dreg:$0x1];
	p0 =	sne.s32 s2, $0x0  }
0x9e: {  	s3 =	rddreg [dreg:$0x2];
	[bflag:$0x3] =	sbarrier.arrive $0xFFFF;
	s2 =	simm.s32 @!p0 $0x1C02  }
0x9f: {  	[timem:s3], [sflag:s2] =	dma.local @!p0 [hbm:s0], s1  }
0xa0: {  	s0 =	simm.s32 @!p0 $0x2  }
0xa1: {  	_ =	swait.ge @!p0 [sflag:s0], s1  }
0xa2: {  	s1 =	ssub.s32 @!p0 $0x0, s1;
	[sflag:s0] =	ssyncset.done @!p0 $0x0  }
0xa3: {  	[sflag:s0] =	ssyncadd.s32 @!p0 s1  }
0xa4: {  	[bflag:$0x3] =	sbarrier.arrive $0xFFFF  }
0xa5: {  	_ =	shalt  }

</sc_bundles>
